<compile_context>
chip_gen: v7x
topology: tpu7x:2x2x1
jax: 0.10.2.dev20260603
libtpu: 0.0.44.dev20260713+nightly
codegen_flags: <defaults>
</compile_context>

<pallas_src>
import functools

import jax
import jax.numpy as jnp
from jax import lax
from jax.experimental import pallas as pl
from jax.experimental.pallas import tpu as pltpu
from jax.experimental.pallas import tpu_sc as plsc

E_IN = 32768
E_OUT = 8192
C = 64
F = 64
K = 8
NBKT = E_OUT * K
FW = 128

NC = 2
NS = 16
L = 16

BE = 4096
CE = E_IN // NS
OE = E_IN // (NC * NS)
RW = E_OUT // NS

_SC_CACHE = {}


def _mesh():
    return plsc.VectorSubcoreMesh(
        core_axis_name="c", subcore_axis_name="s",
        num_cores=NC, num_subcores=NS)


def _sc_counts_body(seg_hbm, kid_hbm, cnt_hbm,
                    seg_v, kid_v, comb_v, ones_v, cnt_v, zer1_v,
                    counts_sh, sem):
    cid = lax.axis_index("c")
    sid = lax.axis_index("s")
    wid = cid * NS + sid

    z16 = jnp.zeros((L,), jnp.float32)
    o16 = jnp.ones((L,), jnp.float32)

    def _z1(i, _):
        zer1_v[pl.ds(i * L, L)] = z16
        return 0
    lax.fori_loop(0, (NBKT // NS) // L, _z1, 0)
    pltpu.sync_copy(zer1_v, counts_sh.at[pl.ds(sid * (NBKT // NS), NBKT // NS)])
    plsc.subcore_barrier()

    base1 = sid * CE
    pltpu.sync_copy(seg_hbm.at[pl.ds(base1, CE)], seg_v)
    pltpu.sync_copy(kid_hbm.at[pl.ds(base1, CE)], kid_v)

    def _mk(i, _):
        sl = pl.ds(i * L, L)
        comb_v[sl] = seg_v[sl] * K + kid_v[sl]
        ones_v[sl] = o16
        return 0
    lax.fori_loop(0, CE // L, _mk, 0)

    pltpu.sync_copy(ones_v, counts_sh.at[comb_v], add=True)
    plsc.subcore_barrier()

    base2 = wid * OE
    pltpu.sync_copy(seg_hbm.at[pl.ds(base2, OE)], seg_v.at[pl.ds(0, OE)])
    pltpu.sync_copy(kid_hbm.at[pl.ds(base2, OE)], kid_v.at[pl.ds(0, OE)])

    def _mk2(i, _):
        sl = pl.ds(i * L, L)
        comb_v[sl] = seg_v[sl] * K + kid_v[sl]
        return 0
    lax.fori_loop(0, OE // L, _mk2, 0)

    pltpu.async_copy(counts_sh.at[comb_v.at[pl.ds(0, OE)]], cnt_v, sem).wait()

    def _inv(i, _):
        sl = pl.ds(i * L, L)
        cnt_v[sl] = 1.0 / jnp.maximum(cnt_v[sl], 1.0)
        return 0
    lax.fori_loop(0, OE // L, _inv, 0)
    pltpu.sync_copy(cnt_v, cnt_hbm.at[pl.ds(base2, OE)])


def _sc_counts(seg, kid):
    if "counts" not in _SC_CACHE:
        _SC_CACHE["counts"] = functools.partial(
            pl.kernel,
            out_type=jax.ShapeDtypeStruct((E_IN,), jnp.float32),
            mesh=_mesh(),
            scratch_types=[
                pltpu.VMEM((CE,), jnp.int32),
                pltpu.VMEM((CE,), jnp.int32),
                pltpu.VMEM((CE,), jnp.int32),
                pltpu.VMEM((CE,), jnp.float32),
                pltpu.VMEM((OE,), jnp.float32),
                pltpu.VMEM((NBKT // NS,), jnp.float32),
                pltpu.VMEM_SHARED((NBKT,), jnp.float32),
                pltpu.SemaphoreType.DMA,
            ],
        )(_sc_counts_body)
    return _SC_CACHE["counts"](seg, kid)


def _tap_matmul_body(feat_ref, aux_ref, dr_ref, kern_ref, y_ref):
    d = jax.nn.softplus(dr_ref[...])
    aux = jnp.transpose(aux_ref[0], (1, 0))
    dt_col = aux[:, 0:1]
    inv = aux[:, 1:2]
    kid_col = aux[:, 2:3]
    factors = jnp.exp(-dt_col * d)
    dec = feat_ref[...] * factors * inv
    yb = jnp.dot(dec, kern_ref[0],
                 preferred_element_type=jnp.float32)
    for k in range(1, K):
        yk = jnp.dot(dec, kern_ref[k], preferred_element_type=jnp.float32)
        yb = jnp.where(kid_col == float(k), yk, yb)
    y_ref[...] = jnp.concatenate(
        [yb, jnp.zeros((yb.shape[0], 128 - F), jnp.float32)], axis=1)


def _tap_matmul(features, aux3, dr2, kern3):
    nb = E_IN // BE
    return pl.pallas_call(
        _tap_matmul_body,
        grid=(nb,),
        in_specs=[
            pl.BlockSpec((BE, C), lambda i: (i, 0)),
            pl.BlockSpec((1, 3, BE), lambda i: (i, 0, 0)),
            pl.BlockSpec((1, C), lambda i: (0, 0)),
            pl.BlockSpec((K, C, F), lambda i: (0, 0, 0)),
        ],
        out_specs=pl.BlockSpec((BE, FW), lambda i: (i, 0)),
        out_shape=jax.ShapeDtypeStruct((E_IN, FW), jnp.float32),
    )(features, aux3, dr2, kern3)


YCH = 128


def _sc_segsum_body(y_hbm, seg_hbm, out_hbm,
                    s0_v, s1_v, y0_v, y1_v, zer2_v, out_sh, semA, semB):
    cid = lax.axis_index("c")
    sid = lax.axis_index("s")
    wid = cid * NS + sid

    z16 = jnp.zeros((L,), jnp.float32)

    def _z2(i, _):
        zer2_v[i // (FW // L), pl.ds((i % (FW // L)) * L, L)] = z16
        return 0
    lax.fori_loop(0, 64 * (FW // L), _z2, 0)
    for j in range(RW // 64):
        pltpu.sync_copy(zer2_v, out_sh.at[pl.ds(sid * RW + j * 64, 64), :])
    plsc.subcore_barrier()

    base2 = wid * OE

    def _pair(h, _):
        off0 = pl.multiple_of(base2 + (2 * h) * YCH, YCH)
        off1 = pl.multiple_of(base2 + (2 * h + 1) * YCH, YCH)
        cy0 = pltpu.async_copy(y_hbm.at[pl.ds(off0, YCH), :], y0_v, semA)
        cs0 = pltpu.async_copy(seg_hbm.at[pl.ds(off0, YCH)], s0_v, semA)
        cy1 = pltpu.async_copy(y_hbm.at[pl.ds(off1, YCH), :], y1_v, semB)
        cs1 = pltpu.async_copy(seg_hbm.at[pl.ds(off1, YCH)], s1_v, semB)
        cy0.wait()
        cs0.wait()
        pltpu.sync_copy(y0_v, out_sh.at[s0_v], add=True)
        cy1.wait()
        cs1.wait()
        pltpu.sync_copy(y1_v, out_sh.at[s1_v], add=True)
        return 0
    lax.fori_loop(0, OE // (2 * YCH), _pair, 0)
    plsc.subcore_barrier()

    pltpu.sync_copy(out_sh.at[pl.ds(sid * RW, RW), :],
                    out_hbm.at[cid, pl.ds(sid * RW, RW), :])


def _sc_segsum(y, seg):
    if "segsum" not in _SC_CACHE:
        _SC_CACHE["segsum"] = functools.partial(
            pl.kernel,
            out_type=jax.ShapeDtypeStruct((NC, E_OUT, FW), jnp.float32),
            mesh=_mesh(),
            scratch_types=[
                pltpu.VMEM((YCH,), jnp.int32),
                pltpu.VMEM((YCH,), jnp.int32),
                pltpu.VMEM((YCH, FW), jnp.float32),
                pltpu.VMEM((YCH, FW), jnp.float32),
                pltpu.VMEM((64, FW), jnp.float32),
                pltpu.VMEM_SHARED((E_OUT, FW), jnp.float32),
                pltpu.SemaphoreType.DMA,
                pltpu.SemaphoreType.DMA,
            ],
        )(_sc_segsum_body)
    return _SC_CACHE["segsum"](y, seg)


def _combine_body(p_ref, b_ref, o_ref):
    x = p_ref[...]
    o_ref[...] = x[0, :, :F] + x[1, :, :F] + b_ref[...]


def _combine(partials, bias2):
    bo = 2048
    return pl.pallas_call(
        _combine_body,
        grid=(E_OUT // bo,),
        in_specs=[
            pl.BlockSpec((NC, bo, FW), lambda i: (0, i, 0)),
            pl.BlockSpec((1, F), lambda i: (0, 0)),
        ],
        out_specs=pl.BlockSpec((bo, F), lambda i: (i, 0)),
        out_shape=jax.ShapeDtypeStruct((E_OUT, F), jnp.float32),
    )(partials, bias2)


def kernel(features, dt, times_out, successor_kernel_ids, segment_ids_out,
           decay_rate, kernel, bias):
    del times_out
    seg = segment_ids_out.astype(jnp.int32)
    kid = successor_kernel_ids.astype(jnp.int32)
    cnt = _sc_counts(seg, kid)
    nb = E_IN // BE
    aux3 = jnp.stack([dt.reshape(nb, BE),
                      cnt.reshape(nb, BE),
                      kid.astype(jnp.float32).reshape(nb, BE)], axis=1)
    y = _tap_matmul(features, aux3, decay_rate.reshape(1, C), kernel)
    partials = _sc_segsum(y, seg)
    return _combine(partials, bias.reshape(1, F))

# --- scband reference (transcript-rebuilt; emitter-appended) ---
"""Pipeline reference for scband-exclusive-conv-34857954574524 (READ-ONLY COPY).

The authoritative reference and input builder live on the scoring server;
editing this copy changes nothing except your own understanding.
"""

import jax, jax.numpy as jnp
import numpy as np

E_IN = 32768
E_OUT = 8192
C_IN = 64
FILTERS = 64
KERNEL_SIZE = 8
NORMALIZE = True


def setup_inputs(seed: int = 0) -> dict:
    key = jax.random.key(seed)
    k1, k2, k3, k4, k5, k6 = jax.random.split(key, 6)
    features = jax.random.normal(k1, (E_IN, C_IN), dtype=jnp.float32)
    dt = jax.random.uniform(k2, (E_IN,), dtype=jnp.float32)
    times_out = jax.random.uniform(k3, (E_OUT,), dtype=jnp.float32)
    successor_kernel_ids = jax.random.randint(k4, (E_IN,), 0, KERNEL_SIZE, dtype=jnp.int32).astype(jnp.int64)
    segment_ids_out = jnp.sort(jax.random.randint(k5, (E_IN,), 0, E_OUT, dtype=jnp.int32)).astype(jnp.int64)
    # learned parameters per build(): decay_rate (C_in,), kernel (K, C_in, filters), bias (filters,)
    decay_rate = jnp.zeros((C_IN,), dtype=jnp.float32)  # 'zeros' initializer
    fan_in = KERNEL_SIZE * C_IN
    fan_out = KERNEL_SIZE * FILTERS
    limit = float(np.sqrt(6.0 / (fan_in + fan_out)))
    kernel = jax.random.uniform(k6, (KERNEL_SIZE, C_IN, FILTERS), dtype=jnp.float32, minval=-limit, maxval=limit)
    bias = jnp.zeros((FILTERS,), dtype=jnp.float32)
    return {
        "features": features,
        "dt": dt,
        "times_out": times_out,
        "successor_kernel_ids": successor_kernel_ids,
        "segment_ids_out": segment_ids_out,
        "decay_rate": decay_rate,
        "kernel": kernel,
        "bias": bias,
    }


def reference(features, dt, times_out, successor_kernel_ids, segment_ids_out, decay_rate, kernel, bias):
    # decay_rate_activation = softplus
    decay = jax.nn.softplus(decay_rate)  # [C_in]
    # exponentially decay each input event's features by its dt to the successor output event
    factors = jnp.exp(-decay[None, :] * dt[:, None])  # [E_in, C_in]
    decayed = features * factors  # [E_in, C_in]
    K = kernel.shape[0]
    n_out = times_out.shape[0]
    # exclusive conv: each input event contributes to exactly one (output event, kernel tap) bucket
    combined = segment_ids_out * K + successor_kernel_ids  # [E_in]
    segsum = jax.ops.segment_sum(decayed, combined, num_segments=n_out * K)  # [n_out*K, C_in]
    if NORMALIZE:
        counts = jax.ops.segment_sum(
            jnp.ones((decayed.shape[0],), dtype=decayed.dtype), combined, num_segments=n_out * K
        )
        segsum = segsum / jnp.maximum(counts, 1.0)[:, None]
    segsum = segsum.reshape(n_out, K, -1)  # [n_out, K, C_in]
    out = jnp.einsum("nki,kio->no", segsum, kernel)  # [n_out, filters]
    out = out + bias  # use_bias=True
    # activation=None -> linear
    return out

if __name__ == "__main__":
    import jax
    _d = setup_inputs()
    print(jax.jit(kernel)(*tuple(_d.values())))

</pallas_src>

<mosaic_0001>
#map = affine_map<(d0, d1) -> (0, 0)>
#map1 = affine_map<(d0, d1) -> (0)>
#map2 = affine_map<(d0, d1) -> (0, 0, 0)>
module attributes {stable_mosaic.version = 14 : i64} {
  func.func @_sc_segsum_body(%arg0: i32, %arg1: i32, %arg2: memref<32768x128xf32, #tpu.memory_space<hbm>>, %arg3: memref<32768xi32, #tpu.memory_space<hbm>>, %arg4: memref<2x8192x128xf32, #tpu.memory_space<hbm>>, %arg5: memref<128xi32, #tpu.memory_space<vmem>>, %arg6: memref<128xi32, #tpu.memory_space<vmem>>, %arg7: memref<128x128xf32, #tpu.memory_space<vmem>>, %arg8: memref<128x128xf32, #tpu.memory_space<vmem>>, %arg9: memref<64x128xf32, #tpu.memory_space<vmem>>, %arg10: memref<8192x128xf32, #tpu.memory_space<vmem_shared>>, %arg11: memref<!tpu.dma_semaphore, #tpu.memory_space<semaphore_mem>>, %arg12: memref<!tpu.dma_semaphore, #tpu.memory_space<semaphore_mem>>) attributes {dimension_semantics = [#tpu.dimension_semantics<core_parallel>, #tpu.dimension_semantics<subcore_parallel>], iteration_bounds = array<i64: 2, 16>, scalar_prefetch = 0 : i64, scratch_operands = 8 : i64, tpu.core_type = #tpu.core_type<sc_vector_subcore>, window_params = [{transform_indices = #map}, {transform_indices = #map1}, {transform_indices = #map2}]} {
    %mul3A = arith.constant 16 : i32
    %mul3A_0 = arith.muli %arg0, %mul3A : i32
    %add3A = arith.addi %mul3A_0, %arg1 : i32
    %broadcast_in_dim3A = arith.constant 0.000000e+00 : f32
    %broadcast_in_dim3A_1 = vector.broadcast %broadcast_in_dim3A : f32 to vector<16xf32>
    %scan3A = arith.constant 0 : i32
    %scan3A_2 = arith.constant 0 : i32
    %scan3A_3 = arith.constant 512 : i32
    %scan3A_4 = arith.addi %scan3A_2, %scan3A_3 : i32
    %scan3A_5 = arith.constant 1 : i32
    %scan3A_6 = scf.for %scan3A_54 = %scan3A_2 to %scan3A_4 step %scan3A_5 iter_args(%scan3A_55 = %scan3A) -> (i32)  : i32 {
      %jit3A = arith.constant 8 : i32
      %div3A = arith.divsi %scan3A_54, %jit3A : i32
      %sign3A = arith.constant 0 : i32
      %sign3A_56 = arith.cmpi sgt, %scan3A_54, %sign3A : i32
      %sign3A_57 = arith.extui %sign3A_56 : i1 to i32
      %sign3A_58 = arith.constant 0 : i32
      %sign3A_59 = arith.cmpi slt, %scan3A_54, %sign3A_58 : i32
      %sign3A_60 = arith.extui %sign3A_59 : i1 to i32
      %sign3A_61 = arith.subi %sign3A_57, %sign3A_60 : i32
      %sign3A_62 = arith.constant 0 : i32
      %sign3A_63 = arith.cmpi sgt, %jit3A, %sign3A_62 : i32
      %sign3A_64 = arith.extui %sign3A_63 : i1 to i32
      %sign3A_65 = arith.constant 0 : i32
      %sign3A_66 = arith.cmpi slt, %jit3A, %sign3A_65 : i32
      %sign3A_67 = arith.extui %sign3A_66 : i1 to i32
      %sign3A_68 = arith.subi %sign3A_64, %sign3A_67 : i32
      %ne3A = arith.cmpi ne, %sign3A_61, %sign3A_68 : i32
      %rem3A = arith.remsi %scan3A_54, %jit3A : i32
      %ne3A_69 = arith.constant 0 : i32
      %ne3A_70 = arith.cmpi ne, %rem3A, %ne3A_69 : i32
      %and3A = arith.andi %ne3A, %ne3A_70 : i1
      %sub3A = arith.constant 1 : i32
      %sub3A_71 = arith.subi %div3A, %sub3A : i32
      %select_n3A = arith.select %and3A, %sub3A_71, %div3A : i32
      %jit3A_72 = arith.constant 8 : i32
      %eq3A = arith.constant 0 : i32
      %eq3A_73 = arith.cmpi eq, %jit3A_72, %eq3A : i32
      %jit3A_74 = arith.constant 1 : i32
      %select_n3A_75 = arith.select %eq3A_73, %jit3A_74, %jit3A_72 : i32
      %rem3A_76 = arith.remsi %scan3A_54, %select_n3A_75 : i32
      %ne3A_77 = arith.constant 0 : i32
      %ne3A_78 = arith.cmpi ne, %rem3A_76, %ne3A_77 : i32
      %lt3A = arith.constant 0 : i32
      %lt3A_79 = arith.cmpi slt, %rem3A_76, %lt3A : i32
      %lt3A_80 = arith.constant 0 : i32
      %lt3A_81 = arith.cmpi slt, %select_n3A_75, %lt3A_80 : i32
      %ne3A_82 = arith.xori %lt3A_79, %lt3A_81 : i1
      %and3A_83 = arith.andi %ne3A_82, %ne3A_78 : i1
      %add3A_84 = arith.addi %rem3A_76, %select_n3A_75 : i32
      %select_n3A_85 = arith.select %and3A_83, %add3A_84, %rem3A_76 : i32
      %mul3A_86 = arith.constant 16 : i32
      %mul3A_87 = arith.muli %select_n3A_85, %mul3A_86 : i32
      %swap3A = arith.index_cast %select_n3A : i32 to index
      %swap3A_88 = arith.index_cast %mul3A_87 : i32 to index
      %swap3A_89 = tpu.vector_load %arg9[%swap3A, %swap3A_88] {strides = array<i32>} : memref<64x128xf32, #tpu.memory_space<vmem>>, vector<1x16xf32>,
      %swap3A_90 = vector.shape_cast %swap3A_89 : vector<1x16xf32> to vector<16xf32>
      %swap3A_91 = vector.shape_cast %broadcast_in_dim3A_1 : vector<16xf32> to vector<1x16xf32>
      tpu.vector_store %arg9[%swap3A, %swap3A_88], %swap3A_91 {strides = array<i32>} : memref<64x128xf32, #tpu.memory_space<vmem>>, vector<1x16xf32>,
      %scan3A_92 = arith.constant 0 : i32
      scf.yield %scan3A_92 : i32
    }
    %scan3A_7 = arith.constant 512 : i32
    %mul3A_8 = arith.constant 512 : i32
    %mul3A_9 = arith.muli %arg1, %mul3A_8 : i32
    %add3A_10 = arith.constant 0 : i32
    %add3A_11 = arith.addi %mul3A_9, %add3A_10 : i32
    "tpu.region"() ({
      %run_scoped3A = tpu.sem_alloc : memref<!tpu.dma_semaphore, #tpu.memory_space<semaphore_mem>>
      %dma_start3A = arith.constant 0 : i32
      %dma_start3A_54 = tpu.memref_slice %arg10[%add3A_11, %dma_start3A] : memref<8192x128xf32, #tpu.memory_space<vmem_shared>> -> memref<64x128xf32, #tpu.memory_space<vmem_shared>>
      %dma_start3A_55 = arith.constant 0 : i32
      %dma_start3A_56 = tpu.memref_slice %arg10[%add3A_11, %dma_start3A_55] : memref<8192x128xf32, #tpu.memory_space<vmem_shared>> -> memref<64x128xf32, #tpu.memory_space<vmem_shared>>
      tpu.enqueue_dma source(%arg9 : memref<64x128xf32, #tpu.memory_space<vmem>>) target(%dma_start3A_56 : memref<64x128xf32, #tpu.memory_space<vmem_shared>>) target_semaphore(%run_scoped3A : memref<!tpu.dma_semaphore, #tpu.memory_space<semaphore_mem>>)
      %dma_wait3A = arith.constant 0 : i32
      %dma_wait3A_57 = tpu.memref_slice %arg10[%add3A_11, %dma_wait3A] : memref<8192x128xf32, #tpu.memory_space<vmem_shared>> -> memref<64x128xf32, #tpu.memory_space<vmem_shared>>
      %dma_wait3A_58 = arith.constant 0 : i32
      %dma_wait3A_59 = tpu.memref_slice %arg10[%add3A_11, %dma_wait3A_58] : memref<8192x128xf32, #tpu.memory_space<vmem_shared>> -> memref<64x128xf32, #tpu.memory_space<vmem_shared>>
      tpu.wait_dma2 semaphore(%run_scoped3A : memref<!tpu.dma_semaphore, #tpu.memory_space<semaphore_mem>>) src(%arg9 : memref<64x128xf32, #tpu.memory_space<vmem>>) dst(%dma_wait3A_59 : memref<64x128xf32, #tpu.memory_space<vmem_shared>>)
      tpu.yield
    }) : () -> ()
    %mul3A_12 = arith.constant 512 : i32
    %mul3A_13 = arith.muli %arg1, %mul3A_12 : i32
    %add3A_14 = arith.constant 64 : i32
    %add3A_15 = arith.addi %mul3A_13, %add3A_14 : i32
    "tpu.region"() ({
      %run_scoped3A = tpu.sem_alloc : memref<!tpu.dma_semaphore, #tpu.memory_space<semaphore_mem>>
      %dma_start3A = arith.constant 0 : i32
      %dma_start3A_54 = tpu.memref_slice %arg10[%add3A_15, %dma_start3A] : memref<8192x128xf32, #tpu.memory_space<vmem_shared>> -> memref<64x128xf32, #tpu.memory_space<vmem_shared>>
      %dma_start3A_55 = arith.constant 0 : i32
      %dma_start3A_56 = tpu.memref_slice %arg10[%add3A_15, %dma_start3A_55] : memref<8192x128xf32, #tpu.memory_space<vmem_shared>> -> memref<64x128xf32, #tpu.memory_space<vmem_shared>>
      tpu.enqueue_dma source(%arg9 : memref<64x128xf32, #tpu.memory_space<vmem>>) target(%dma_start3A_56 : memref<64x128xf32, #tpu.memory_space<vmem_shared>>) target_semaphore(%run_scoped3A : memref<!tpu.dma_semaphore, #tpu.memory_space<semaphore_mem>>)
      %dma_wait3A = arith.constant 0 : i32
      %dma_wait3A_57 = tpu.memref_slice %arg10[%add3A_15, %dma_wait3A] : memref<8192x128xf32, #tpu.memory_space<vmem_shared>> -> memref<64x128xf32, #tpu.memory_space<vmem_shared>>
      %dma_wait3A_58 = arith.constant 0 : i32
      %dma_wait3A_59 = tpu.memref_slice %arg10[%add3A_15, %dma_wait3A_58] : memref<8192x128xf32, #tpu.memory_space<vmem_shared>> -> memref<64x128xf32, #tpu.memory_space<vmem_shared>>
      tpu.wait_dma2 semaphore(%run_scoped3A : memref<!tpu.dma_semaphore, #tpu.memory_space<semaphore_mem>>) src(%arg9 : memref<64x128xf32, #tpu.memory_space<vmem>>) dst(%dma_wait3A_59 : memref<64x128xf32, #tpu.memory_space<vmem_shared>>)
      tpu.yield
    }) : () -> ()
    %mul3A_16 = arith.constant 512 : i32
    %mul3A_17 = arith.muli %arg1, %mul3A_16 : i32
    %add3A_18 = arith.constant 128 : i32
    %add3A_19 = arith.addi %mul3A_17, %add3A_18 : i32
    "tpu.region"() ({
      %run_scoped3A = tpu.sem_alloc : memref<!tpu.dma_semaphore, #tpu.memory_space<semaphore_mem>>
      %dma_start3A = arith.constant 0 : i32
      %dma_start3A_54 = tpu.memref_slice %arg10[%add3A_19, %dma_start3A] : memref<8192x128xf32, #tpu.memory_space<vmem_shared>> -> memref<64x128xf32, #tpu.memory_space<vmem_shared>>
      %dma_start3A_55 = arith.constant 0 : i32
      %dma_start3A_56 = tpu.memref_slice %arg10[%add3A_19, %dma_start3A_55] : memref<8192x128xf32, #tpu.memory_space<vmem_shared>> -> memref<64x128xf32, #tpu.memory_space<vmem_shared>>
      tpu.enqueue_dma source(%arg9 : memref<64x128xf32, #tpu.memory_space<vmem>>) target(%dma_start3A_56 : memref<64x128xf32, #tpu.memory_space<vmem_shared>>) target_semaphore(%run_scoped3A : memref<!tpu.dma_semaphore, #tpu.memory_space<semaphore_mem>>)
      %dma_wait3A = arith.constant 0 : i32
      %dma_wait3A_57 = tpu.memref_slice %arg10[%add3A_19, %dma_wait3A] : memref<8192x128xf32, #tpu.memory_space<vmem_shared>> -> memref<64x128xf32, #tpu.memory_space<vmem_shared>>
      %dma_wait3A_58 = arith.constant 0 : i32
      %dma_wait3A_59 = tpu.memref_slice %arg10[%add3A_19, %dma_wait3A_58] : memref<8192x128xf32, #tpu.memory_space<vmem_shared>> -> memref<64x128xf32, #tpu.memory_space<vmem_shared>>
      tpu.wait_dma2 semaphore(%run_scoped3A : memref<!tpu.dma_semaphore, #tpu.memory_space<semaphore_mem>>) src(%arg9 : memref<64x128xf32, #tpu.memory_space<vmem>>) dst(%dma_wait3A_59 : memref<64x128xf32, #tpu.memory_space<vmem_shared>>)
      tpu.yield
    }) : () -> ()
    %mul3A_20 = arith.constant 512 : i32
    %mul3A_21 = arith.muli %arg1, %mul3A_20 : i32
    %add3A_22 = arith.constant 192 : i32
    %add3A_23 = arith.addi %mul3A_21, %add3A_22 : i32
    "tpu.region"() ({
      %run_scoped3A = tpu.sem_alloc : memref<!tpu.dma_semaphore, #tpu.memory_space<semaphore_mem>>
      %dma_start3A = arith.constant 0 : i32
      %dma_start3A_54 = tpu.memref_slice %arg10[%add3A_23, %dma_start3A] : memref<8192x128xf32, #tpu.memory_space<vmem_shared>> -> memref<64x128xf32, #tpu.memory_space<vmem_shared>>
      %dma_start3A_55 = arith.constant 0 : i32
      %dma_start3A_56 = tpu.memref_slice %arg10[%add3A_23, %dma_start3A_55] : memref<8192x128xf32, #tpu.memory_space<vmem_shared>> -> memref<64x128xf32, #tpu.memory_space<vmem_shared>>
      tpu.enqueue_dma source(%arg9 : memref<64x128xf32, #tpu.memory_space<vmem>>) target(%dma_start3A_56 : memref<64x128xf32, #tpu.memory_space<vmem_shared>>) target_semaphore(%run_scoped3A : memref<!tpu.dma_semaphore, #tpu.memory_space<semaphore_mem>>)
      %dma_wait3A = arith.constant 0 : i32
      %dma_wait3A_57 = tpu.memref_slice %arg10[%add3A_23, %dma_wait3A] : memref<8192x128xf32, #tpu.memory_space<vmem_shared>> -> memref<64x128xf32, #tpu.memory_space<vmem_shared>>
      %dma_wait3A_58 = arith.constant 0 : i32
      %dma_wait3A_59 = tpu.memref_slice %arg10[%add3A_23, %dma_wait3A_58] : memref<8192x128xf32, #tpu.memory_space<vmem_shared>> -> memref<64x128xf32, #tpu.memory_space<vmem_shared>>
      tpu.wait_dma2 semaphore(%run_scoped3A : memref<!tpu.dma_semaphore, #tpu.memory_space<semaphore_mem>>) src(%arg9 : memref<64x128xf32, #tpu.memory_space<vmem>>) dst(%dma_wait3A_59 : memref<64x128xf32, #tpu.memory_space<vmem_shared>>)
      tpu.yield
    }) : () -> ()
    %mul3A_24 = arith.constant 512 : i32
    %mul3A_25 = arith.muli %arg1, %mul3A_24 : i32
    %add3A_26 = arith.constant 256 : i32
    %add3A_27 = arith.addi %mul3A_25, %add3A_26 : i32
    "tpu.region"() ({
      %run_scoped3A = tpu.sem_alloc : memref<!tpu.dma_semaphore, #tpu.memory_space<semaphore_mem>>
      %dma_start3A = arith.constant 0 : i32
      %dma_start3A_54 = tpu.memref_slice %arg10[%add3A_27, %dma_start3A] : memref<8192x128xf32, #tpu.memory_space<vmem_shared>> -> memref<64x128xf32, #tpu.memory_space<vmem_shared>>
      %dma_start3A_55 = arith.constant 0 : i32
      %dma_start3A_56 = tpu.memref_slice %arg10[%add3A_27, %dma_start3A_55] : memref<8192x128xf32, #tpu.memory_space<vmem_shared>> -> memref<64x128xf32, #tpu.memory_space<vmem_shared>>
      tpu.enqueue_dma source(%arg9 : memref<64x128xf32, #tpu.memory_space<vmem>>) target(%dma_start3A_56 : memref<64x128xf32, #tpu.memory_space<vmem_shared>>) target_semaphore(%run_scoped3A : memref<!tpu.dma_semaphore, #tpu.memory_space<semaphore_mem>>)
      %dma_wait3A = arith.constant 0 : i32
      %dma_wait3A_57 = tpu.memref_slice %arg10[%add3A_27, %dma_wait3A] : memref<8192x128xf32, #tpu.memory_space<vmem_shared>> -> memref<64x128xf32, #tpu.memory_space<vmem_shared>>
      %dma_wait3A_58 = arith.constant 0 : i32
      %dma_wait3A_59 = tpu.memref_slice %arg10[%add3A_27, %dma_wait3A_58] : memref<8192x128xf32, #tpu.memory_space<vmem_shared>> -> memref<64x128xf32, #tpu.memory_space<vmem_shared>>
      tpu.wait_dma2 semaphore(%run_scoped3A : memref<!tpu.dma_semaphore, #tpu.memory_space<semaphore_mem>>) src(%arg9 : memref<64x128xf32, #tpu.memory_space<vmem>>) dst(%dma_wait3A_59 : memref<64x128xf32, #tpu.memory_space<vmem_shared>>)
      tpu.yield
    }) : () -> ()
    %mul3A_28 = arith.constant 512 : i32
    %mul3A_29 = arith.muli %arg1, %mul3A_28 : i32
    %add3A_30 = arith.constant 320 : i32
    %add3A_31 = arith.addi %mul3A_29, %add3A_30 : i32
    "tpu.region"() ({
      %run_scoped3A = tpu.sem_alloc : memref<!tpu.dma_semaphore, #tpu.memory_space<semaphore_mem>>
      %dma_start3A = arith.constant 0 : i32
      %dma_start3A_54 = tpu.memref_slice %arg10[%add3A_31, %dma_start3A] : memref<8192x128xf32, #tpu.memory_space<vmem_shared>> -> memref<64x128xf32, #tpu.memory_space<vmem_shared>>
      %dma_start3A_55 = arith.constant 0 : i32
      %dma_start3A_56 = tpu.memref_slice %arg10[%add3A_31, %dma_start3A_55] : memref<8192x128xf32, #tpu.memory_space<vmem_shared>> -> memref<64x128xf32, #tpu.memory_space<vmem_shared>>
      tpu.enqueue_dma source(%arg9 : memref<64x128xf32, #tpu.memory_space<vmem>>) target(%dma_start3A_56 : memref<64x128xf32, #tpu.memory_space<vmem_shared>>) target_semaphore(%run_scoped3A : memref<!tpu.dma_semaphore, #tpu.memory_space<semaphore_mem>>)
      %dma_wait3A = arith.constant 0 : i32
      %dma_wait3A_57 = tpu.memref_slice %arg10[%add3A_31, %dma_wait3A] : memref<8192x128xf32, #tpu.memory_space<vmem_shared>> -> memref<64x128xf32, #tpu.memory_space<vmem_shared>>
      %dma_wait3A_58 = arith.constant 0 : i32
      %dma_wait3A_59 = tpu.memref_slice %arg10[%add3A_31, %dma_wait3A_58] : memref<8192x128xf32, #tpu.memory_space<vmem_shared>> -> memref<64x128xf32, #tpu.memory_space<vmem_shared>>
      tpu.wait_dma2 semaphore(%run_scoped3A : memref<!tpu.dma_semaphore, #tpu.memory_space<semaphore_mem>>) src(%arg9 : memref<64x128xf32, #tpu.memory_space<vmem>>) dst(%dma_wait3A_59 : memref<64x128xf32, #tpu.memory_space<vmem_shared>>)
      tpu.yield
    }) : () -> ()
    %mul3A_32 = arith.constant 512 : i32
    %mul3A_33 = arith.muli %arg1, %mul3A_32 : i32
    %add3A_34 = arith.constant 384 : i32
    %add3A_35 = arith.addi %mul3A_33, %add3A_34 : i32
    "tpu.region"() ({
      %run_scoped3A = tpu.sem_alloc : memref<!tpu.dma_semaphore, #tpu.memory_space<semaphore_mem>>
      %dma_start3A = arith.constant 0 : i32
      %dma_start3A_54 = tpu.memref_slice %arg10[%add3A_35, %dma_start3A] : memref<8192x128xf32, #tpu.memory_space<vmem_shared>> -> memref<64x128xf32, #tpu.memory_space<vmem_shared>>
      %dma_start3A_55 = arith.constant 0 : i32
      %dma_start3A_56 = tpu.memref_slice %arg10[%add3A_35, %dma_start3A_55] : memref<8192x128xf32, #tpu.memory_space<vmem_shared>> -> memref<64x128xf32, #tpu.memory_space<vmem_shared>>
      tpu.enqueue_dma source(%arg9 : memref<64x128xf32, #tpu.memory_space<vmem>>) target(%dma_start3A_56 : memref<64x128xf32, #tpu.memory_space<vmem_shared>>) target_semaphore(%run_scoped3A : memref<!tpu.dma_semaphore, #tpu.memory_space<semaphore_mem>>)
      %dma_wait3A = arith.constant 0 : i32
      %dma_wait3A_57 = tpu.memref_slice %arg10[%add3A_35, %dma_wait3A] : memref<8192x128xf32, #tpu.memory_space<vmem_shared>> -> memref<64x128xf32, #tpu.memory_space<vmem_shared>>
      %dma_wait3A_58 = arith.constant 0 : i32
      %dma_wait3A_59 = tpu.memref_slice %arg10[%add3A_35, %dma_wait3A_58] : memref<8192x128xf32, #tpu.memory_space<vmem_shared>> -> memref<64x128xf32, #tpu.memory_space<vmem_shared>>
      tpu.wait_dma2 semaphore(%run_scoped3A : memref<!tpu.dma_semaphore, #tpu.memory_space<semaphore_mem>>) src(%arg9 : memref<64x128xf32, #tpu.memory_space<vmem>>) dst(%dma_wait3A_59 : memref<64x128xf32, #tpu.memory_space<vmem_shared>>)
      tpu.yield
    }) : () -> ()
    %mul3A_36 = arith.constant 512 : i32
    %mul3A_37 = arith.muli %arg1, %mul3A_36 : i32
    %add3A_38 = arith.constant 448 : i32
    %add3A_39 = arith.addi %mul3A_37, %add3A_38 : i32
    "tpu.region"() ({
      %run_scoped3A = tpu.sem_alloc : memref<!tpu.dma_semaphore, #tpu.memory_space<semaphore_mem>>
      %dma_start3A = arith.constant 0 : i32
      %dma_start3A_54 = tpu.memref_slice %arg10[%add3A_39, %dma_start3A] : memref<8192x128xf32, #tpu.memory_space<vmem_shared>> -> memref<64x128xf32, #tpu.memory_space<vmem_shared>>
      %dma_start3A_55 = arith.constant 0 : i32
      %dma_start3A_56 = tpu.memref_slice %arg10[%add3A_39, %dma_start3A_55] : memref<8192x128xf32, #tpu.memory_space<vmem_shared>> -> memref<64x128xf32, #tpu.memory_space<vmem_shared>>
      tpu.enqueue_dma source(%arg9 : memref<64x128xf32, #tpu.memory_space<vmem>>) target(%dma_start3A_56 : memref<64x128xf32, #tpu.memory_space<vmem_shared>>) target_semaphore(%run_scoped3A : memref<!tpu.dma_semaphore, #tpu.memory_space<semaphore_mem>>)
      %dma_wait3A = arith.constant 0 : i32
      %dma_wait3A_57 = tpu.memref_slice %arg10[%add3A_39, %dma_wait3A] : memref<8192x128xf32, #tpu.memory_space<vmem_shared>> -> memref<64x128xf32, #tpu.memory_space<vmem_shared>>
      %dma_wait3A_58 = arith.constant 0 : i32
      %dma_wait3A_59 = tpu.memref_slice %arg10[%add3A_39, %dma_wait3A_58] : memref<8192x128xf32, #tpu.memory_space<vmem_shared>> -> memref<64x128xf32, #tpu.memory_space<vmem_shared>>
      tpu.wait_dma2 semaphore(%run_scoped3A : memref<!tpu.dma_semaphore, #tpu.memory_space<semaphore_mem>>) src(%arg9 : memref<64x128xf32, #tpu.memory_space<vmem>>) dst(%dma_wait3A_59 : memref<64x128xf32, #tpu.memory_space<vmem_shared>>)
      tpu.yield
    }) : () -> ()
    %barrier3A = arith.constant 0 : index
    tpu.barrier barrier_id(%barrier3A)
    %mul3A_40 = arith.constant 1024 : i32
    %mul3A_41 = arith.muli %add3A, %mul3A_40 : i32
    %scan3A_42 = arith.constant 0 : i32
    %scan3A_43 = arith.constant 0 : i32
    %scan3A_44 = arith.constant 4 : i32
    %scan3A_45 = arith.addi %scan3A_43, %scan3A_44 : i32
    %scan3A_46 = arith.constant 1 : i32
    %scan3A_47 = scf.for %scan3A_54 = %scan3A_43 to %scan3A_45 step %scan3A_46 iter_args(%scan3A_55 = %scan3A_42) -> (i32)  : i32 {
      %mul3A_56 = arith.constant 2 : i32
      %mul3A_57 = arith.muli %mul3A_56, %scan3A_54 : i32
      %mul3A_58 = arith.constant 128 : i32
      %mul3A_59 = arith.muli %mul3A_57, %mul3A_58 : i32
      %add3A_60 = arith.addi %mul3A_41, %mul3A_59 : i32
      %multiple_of3A = tpu.assume_multiple %add3A_60, 128 : i32
      %mul3A_61 = arith.constant 2 : i32
      %mul3A_62 = arith.muli %mul3A_61, %scan3A_54 : i32
      %add3A_63 = arith.constant 1 : i32
      %add3A_64 = arith.addi %mul3A_62, %add3A_63 : i32
      %mul3A_65 = arith.constant 128 : i32
      %mul3A_66 = arith.muli %add3A_64, %mul3A_65 : i32
      %add3A_67 = arith.addi %mul3A_41, %mul3A_66 : i32
      %multiple_of3A_68 = tpu.assume_multiple %add3A_67, 128 : i32
      %dma_start3A = arith.constant 0 : i32
      %dma_start3A_69 = tpu.memref_slice %arg2[%multiple_of3A, %dma_start3A] : memref<32768x128xf32, #tpu.memory_space<hbm>> -> memref<128x128xf32, #tpu.memory_space<hbm>>
      %dma_start3A_70 = arith.constant 0 : i32
      %dma_start3A_71 = tpu.memref_slice %arg2[%multiple_of3A, %dma_start3A_70] : memref<32768x128xf32, #tpu.memory_space<hbm>> -> memref<128x128xf32, #tpu.memory_space<hbm>>
      tpu.enqueue_dma source(%dma_start3A_71 : memref<128x128xf32, #tpu.memory_space<hbm>>) target(%arg7 : memref<128x128xf32, #tpu.memory_space<vmem>>) target_semaphore(%arg11 : memref<!tpu.dma_semaphore, #tpu.memory_space<semaphore_mem>>)
      %dma_start3A_72 = tpu.memref_slice %arg3[%multiple_of3A] : memref<32768xi32, #tpu.memory_space<hbm>> -> memref<128xi32, #tpu.memory_space<hbm>>
      %dma_start3A_73 = tpu.memref_slice %arg3[%multiple_of3A] : memref<32768xi32, #tpu.memory_space<hbm>> -> memref<128xi32, #tpu.memory_space<hbm>>
      tpu.enqueue_dma source(%dma_start3A_73 : memref<128xi32, #tpu.memory_space<hbm>>) target(%arg5 : memref<128xi32, #tpu.memory_space<vmem>>) target_semaphore(%arg11 : memref<!tpu.dma_semaphore, #tpu.memory_space<semaphore_mem>>)
      %dma_start3A_74 = arith.constant 0 : i32
      %dma_start3A_75 = tpu.memref_slice %arg2[%multiple_of3A_68, %dma_start3A_74] : memref<32768x128xf32, #tpu.memory_space<hbm>> -> memref<128x128xf32, #tpu.memory_space<hbm>>
      %dma_start3A_76 = arith.constant 0 : i32
      %dma_start3A_77 = tpu.memref_slice %arg2[%multiple_of3A_68, %dma_start3A_76] : memref<32768x128xf32, #tpu.memory_space<hbm>> -> memref<128x128xf32, #tpu.memory_space<hbm>>
      tpu.enqueue_dma source(%dma_start3A_77 : memref<128x128xf32, #tpu.memory_space<hbm>>) target(%arg8 : memref<128x128xf32, #tpu.memory_space<vmem>>) target_semaphore(%arg12 : memref<!tpu.dma_semaphore, #tpu.memory_space<semaphore_mem>>)
      %dma_start3A_78 = tpu.memref_slice %arg3[%multiple_of3A_68] : memref<32768xi32, #tpu.memory_space<hbm>> -> memref<128xi32, #tpu.memory_space<hbm>>
      %dma_start3A_79 = tpu.memref_slice %arg3[%multiple_of3A_68] : memref<32768xi32, #tpu.memory_space<hbm>> -> memref<128xi32, #tpu.memory_space<hbm>>
      tpu.enqueue_dma source(%dma_start3A_79 : memref<128xi32, #tpu.memory_space<hbm>>) target(%arg6 : memref<128xi32, #tpu.memory_space<vmem>>) target_semaphore(%arg12 : memref<!tpu.dma_semaphore, #tpu.memory_space<semaphore_mem>>)
      %dma_wait3A = arith.constant 0 : i32
      %dma_wait3A_80 = tpu.memref_slice %arg2[%multiple_of3A, %dma_wait3A] : memref<32768x128xf32, #tpu.memory_space<hbm>> -> memref<128x128xf32, #tpu.memory_space<hbm>>
      %dma_wait3A_81 = arith.constant 0 : i32
      %dma_wait3A_82 = tpu.memref_slice %arg2[%multiple_of3A, %dma_wait3A_81] : memref<32768x128xf32, #tpu.memory_space<hbm>> -> memref<128x128xf32, #tpu.memory_space<hbm>>
      tpu.wait_dma2 semaphore(%arg11 : memref<!tpu.dma_semaphore, #tpu.memory_space<semaphore_mem>>) src(%dma_wait3A_82 : memref<128x128xf32, #tpu.memory_space<hbm>>) dst(%arg7 : memref<128x128xf32, #tpu.memory_space<vmem>>)
      %dma_wait3A_83 = tpu.memref_slice %arg3[%multiple_of3A] : memref<32768xi32, #tpu.memory_space<hbm>> -> memref<128xi32, #tpu.memory_space<hbm>>
      %dma_wait3A_84 = tpu.memref_slice %arg3[%multiple_of3A] : memref<32768xi32, #tpu.memory_space<hbm>> -> memref<128xi32, #tpu.memory_space<hbm>>
      tpu.wait_dma2 semaphore(%arg11 : memref<!tpu.dma_semaphore, #tpu.memory_space<semaphore_mem>>) src(%dma_wait3A_84 : memref<128xi32, #tpu.memory_space<hbm>>) dst(%arg5 : memref<128xi32, #tpu.memory_space<vmem>>)
      "tpu.region"() ({
        %run_scoped3A = tpu.sem_alloc : memref<!tpu.dma_semaphore, #tpu.memory_space<semaphore_mem>>
        %dma_start3A_92 = arith.constant 0 : i32
        %dma_start3A_93 = arith.constant 0 : i32
        %dma_start3A_94 = tpu.memref_slice %arg10[%dma_start3A_92, %dma_start3A_93] : memref<8192x128xf32, #tpu.memory_space<vmem_shared>> -> memref<8192x128xf32, #tpu.memory_space<vmem_shared>>
        tpu.enqueue_indirect_dma source(%arg7 : memref<128x128xf32, #tpu.memory_space<vmem>>) target(%dma_start3A_94 : memref<8192x128xf32, #tpu.memory_space<vmem_shared>>) offsets(%arg5 : memref<128xi32, #tpu.memory_space<vmem>>) semaphore(%run_scoped3A : memref<!tpu.dma_semaphore, #tpu.memory_space<semaphore_mem>>) {add = true}
        %dma_wait3A_95 = arith.constant 0 : i32
        %dma_wait3A_96 = arith.constant 0 : i32
        %dma_wait3A_97 = tpu.memref_slice %arg10[%dma_wait3A_95, %dma_wait3A_96] : memref<8192x128xf32, #tpu.memory_space<vmem_shared>> -> memref<8192x128xf32, #tpu.memory_space<vmem_shared>>
        tpu.wait_indirect_dma semaphore(%run_scoped3A : memref<!tpu.dma_semaphore, #tpu.memory_space<semaphore_mem>>) src(%arg7 : memref<128x128xf32, #tpu.memory_space<vmem>>) dst(%dma_wait3A_97 : memref<8192x128xf32, #tpu.memory_space<vmem_shared>>)
        tpu.yield
      }) : () -> ()
      %dma_wait3A_85 = arith.constant 0 : i32
      %dma_wait3A_86 = tpu.memref_slice %arg2[%multiple_of3A_68, %dma_wait3A_85] : memref<32768x128xf32, #tpu.memory_space<hbm>> -> memref<128x128xf32, #tpu.memory_space<hbm>>
      %dma_wait3A_87 = arith.constant 0 : i32
      %dma_wait3A_88 = tpu.memref_slice %arg2[%multiple_of3A_68, %dma_wait3A_87] : memref<32768x128xf32, #tpu.memory_space<hbm>> -> memref<128x128xf32, #tpu.memory_space<hbm>>
      tpu.wait_dma2 semaphore(%arg12 : memref<!tpu.dma_semaphore, #tpu.memory_space<semaphore_mem>>) src(%dma_wait3A_88 : memref<128x128xf32, #tpu.memory_space<hbm>>) dst(%arg8 : memref<128x128xf32, #tpu.memory_space<vmem>>)
      %dma_wait3A_89 = tpu.memref_slice %arg3[%multiple_of3A_68] : memref<32768xi32, #tpu.memory_space<hbm>> -> memref<128xi32, #tpu.memory_space<hbm>>
      %dma_wait3A_90 = tpu.memref_slice %arg3[%multiple_of3A_68] : memref<32768xi32, #tpu.memory_space<hbm>> -> memref<128xi32, #tpu.memory_space<hbm>>
      tpu.wait_dma2 semaphore(%arg12 : memref<!tpu.dma_semaphore, #tpu.memory_space<semaphore_mem>>) src(%dma_wait3A_90 : memref<128xi32, #tpu.memory_space<hbm>>) dst(%arg6 : memref<128xi32, #tpu.memory_space<vmem>>)
      "tpu.region"() ({
        %run_scoped3A = tpu.sem_alloc : memref<!tpu.dma_semaphore, #tpu.memory_space<semaphore_mem>>
        %dma_start3A_92 = arith.constant 0 : i32
        %dma_start3A_93 = arith.constant 0 : i32
        %dma_start3A_94 = tpu.memref_slice %arg10[%dma_start3A_92, %dma_start3A_93] : memref<8192x128xf32, #tpu.memory_space<vmem_shared>> -> memref<8192x128xf32, #tpu.memory_space<vmem_shared>>
        tpu.enqueue_indirect_dma source(%arg8 : memref<128x128xf32, #tpu.memory_space<vmem>>) target(%dma_start3A_94 : memref<8192x128xf32, #tpu.memory_space<vmem_shared>>) offsets(%arg6 : memref<128xi32, #tpu.memory_space<vmem>>) semaphore(%run_scoped3A : memref<!tpu.dma_semaphore, #tpu.memory_space<semaphore_mem>>) {add = true}
        %dma_wait3A_95 = arith.constant 0 : i32
        %dma_wait3A_96 = arith.constant 0 : i32
        %dma_wait3A_97 = tpu.memref_slice %arg10[%dma_wait3A_95, %dma_wait3A_96] : memref<8192x128xf32, #tpu.memory_space<vmem_shared>> -> memref<8192x128xf32, #tpu.memory_space<vmem_shared>>
        tpu.wait_indirect_dma semaphore(%run_scoped3A : memref<!tpu.dma_semaphore, #tpu.memory_space<semaphore_mem>>) src(%arg8 : memref<128x128xf32, #tpu.memory_space<vmem>>) dst(%dma_wait3A_97 : memref<8192x128xf32, #tpu.memory_space<vmem_shared>>)
        tpu.yield
      }) : () -> ()
      %scan3A_91 = arith.constant 0 : i32
      scf.yield %scan3A_91 : i32
    }
    %scan3A_48 = arith.constant 4 : i32
    %barrier3A_49 = arith.constant 0 : index
    tpu.barrier barrier_id(%barrier3A_49)
    %mul3A_50 = arith.constant 512 : i32
    %mul3A_51 = arith.muli %arg1, %mul3A_50 : i32
    %mul3A_52 = arith.constant 512 : i32
    %mul3A_53 = arith.muli %arg1, %mul3A_52 : i32
    "tpu.region"() ({
      %run_scoped3A = tpu.sem_alloc : memref<!tpu.dma_semaphore, #tpu.memory_space<semaphore_mem>>
      %dma_start3A = arith.constant 0 : i32
      %dma_start3A_54 = tpu.memref_slice %arg4[%arg0, %mul3A_53, %dma_start3A] : memref<2x8192x128xf32, #tpu.memory_space<hbm>> -> memref<1x512x128xf32, #tpu.memory_space<hbm>>
      %dma_start3A_55 = tpu.memref_squeeze %dma_start3A_54 : memref<1x512x128xf32, #tpu.memory_space<hbm>> -> memref<512x128xf32, #tpu.memory_space<hbm>>
      %dma_start3A_56 = arith.constant 0 : i32
      %dma_start3A_57 = tpu.memref_slice %arg10[%mul3A_51, %dma_start3A_56] : memref<8192x128xf32, #tpu.memory_space<vmem_shared>> -> memref<512x128xf32, #tpu.memory_space<vmem_shared>>
      tpu.enqueue_dma source(%dma_start3A_57 : memref<512x128xf32, #tpu.memory_space<vmem_shared>>) target(%dma_start3A_55 : memref<512x128xf32, #tpu.memory_space<hbm>>) target_semaphore(%run_scoped3A : memref<!tpu.dma_semaphore, #tpu.memory_space<semaphore_mem>>)
      %dma_wait3A = arith.constant 0 : i32
      %dma_wait3A_58 = tpu.memref_slice %arg4[%arg0, %mul3A_53, %dma_wait3A] : memref<2x8192x128xf32, #tpu.memory_space<hbm>> -> memref<1x512x128xf32, #tpu.memory_space<hbm>>
      %dma_wait3A_59 = tpu.memref_squeeze %dma_wait3A_58 : memref<1x512x128xf32, #tpu.memory_space<hbm>> -> memref<512x128xf32, #tpu.memory_space<hbm>>
      %dma_wait3A_60 = arith.constant 0 : i32
      %dma_wait3A_61 = tpu.memref_slice %arg10[%mul3A_51, %dma_wait3A_60] : memref<8192x128xf32, #tpu.memory_space<vmem_shared>> -> memref<512x128xf32, #tpu.memory_space<vmem_shared>>
      tpu.wait_dma2 semaphore(%run_scoped3A : memref<!tpu.dma_semaphore, #tpu.memory_space<semaphore_mem>>) src(%dma_wait3A_61 : memref<512x128xf32, #tpu.memory_space<vmem_shared>>) dst(%dma_wait3A_59 : memref<512x128xf32, #tpu.memory_space<hbm>>)
      tpu.yield
    }) : () -> ()
    return
  }
}

#map = affine_map<(d0, d1) -> (0)>
module attributes {stable_mosaic.version = 14 : i64} {
  func.func @_sc_counts_body(%arg0: i32, %arg1: i32, %arg2: memref<32768xi32, #tpu.memory_space<hbm>>, %arg3: memref<32768xi32, #tpu.memory_space<hbm>>, %arg4: memref<32768xf32, #tpu.memory_space<hbm>>, %arg5: memref<2048xi32, #tpu.memory_space<vmem>>, %arg6: memref<2048xi32, #tpu.memory_space<vmem>>, %arg7: memref<2048xi32, #tpu.memory_space<vmem>>, %arg8: memref<2048xf32, #tpu.memory_space<vmem>>, %arg9: memref<1024xf32, #tpu.memory_space<vmem>>, %arg10: memref<4096xf32, #tpu.memory_space<vmem>>, %arg11: memref<65536xf32, #tpu.memory_space<vmem_shared>>, %arg12: memref<!tpu.dma_semaphore, #tpu.memory_space<semaphore_mem>>) attributes {dimension_semantics = [#tpu.dimension_semantics<core_parallel>, #tpu.dimension_semantics<subcore_parallel>], iteration_bounds = array<i64: 2, 16>, scalar_prefetch = 0 : i64, scratch_operands = 8 : i64, tpu.core_type = #tpu.core_type<sc_vector_subcore>, window_params = [{transform_indices = #map}, {transform_indices = #map}, {transform_indices = #map}]} {
    %mul3A = arith.constant 16 : i32
    %mul3A_0 = arith.muli %arg0, %mul3A : i32
    %add3A = arith.addi %mul3A_0, %arg1 : i32
    %broadcast_in_dim3A = arith.constant 0.000000e+00 : f32
    %broadcast_in_dim3A_1 = vector.broadcast %broadcast_in_dim3A : f32 to vector<16xf32>
    %broadcast_in_dim3A_2 = arith.constant 1.000000e+00 : f32
    %broadcast_in_dim3A_3 = vector.broadcast %broadcast_in_dim3A_2 : f32 to vector<16xf32>
    %scan3A = arith.constant 0 : i32
    %scan3A_4 = arith.constant 0 : i32
    %scan3A_5 = arith.constant 256 : i32
    %scan3A_6 = arith.addi %scan3A_4, %scan3A_5 : i32
    %scan3A_7 = arith.constant 1 : i32
    %scan3A_8 = scf.for %scan3A_44 = %scan3A_4 to %scan3A_6 step %scan3A_7 iter_args(%scan3A_45 = %scan3A) -> (i32)  : i32 {
      %mul3A_46 = arith.constant 16 : i32
      %mul3A_47 = arith.muli %scan3A_44, %mul3A_46 : i32
      %swap3A = arith.index_cast %mul3A_47 : i32 to index
      %swap3A_48 = tpu.vector_load %arg10[%swap3A] {strides = array<i32>} : memref<4096xf32, #tpu.memory_space<vmem>>, vector<16xf32>,
      %swap3A_49 = vector.shape_cast %swap3A_48 : vector<16xf32> to vector<16xf32>
      %swap3A_50 = vector.shape_cast %broadcast_in_dim3A_1 : vector<16xf32> to vector<16xf32>
      tpu.vector_store %arg10[%swap3A], %swap3A_50 {strides = array<i32>} : memref<4096xf32, #tpu.memory_space<vmem>>, vector<16xf32>,
      %scan3A_51 = arith.constant 0 : i32
      scf.yield %scan3A_51 : i32
    }
    %scan3A_9 = arith.constant 256 : i32
    %mul3A_10 = arith.constant 4096 : i32
    %mul3A_11 = arith.muli %arg1, %mul3A_10 : i32
    "tpu.region"() ({
      %run_scoped3A = tpu.sem_alloc : memref<!tpu.dma_semaphore, #tpu.memory_space<semaphore_mem>>
      %dma_start3A_44 = tpu.memref_slice %arg11[%mul3A_11] : memref<65536xf32, #tpu.memory_space<vmem_shared>> -> memref<4096xf32, #tpu.memory_space<vmem_shared>>
      %dma_start3A_45 = tpu.memref_slice %arg11[%mul3A_11] : memref<65536xf32, #tpu.memory_space<vmem_shared>> -> memref<4096xf32, #tpu.memory_space<vmem_shared>>
      tpu.enqueue_dma source(%arg10 : memref<4096xf32, #tpu.memory_space<vmem>>) target(%dma_start3A_45 : memref<4096xf32, #tpu.memory_space<vmem_shared>>) target_semaphore(%run_scoped3A : memref<!tpu.dma_semaphore, #tpu.memory_space<semaphore_mem>>)
      %dma_wait3A_46 = tpu.memref_slice %arg11[%mul3A_11] : memref<65536xf32, #tpu.memory_space<vmem_shared>> -> memref<4096xf32, #tpu.memory_space<vmem_shared>>
      %dma_wait3A_47 = tpu.memref_slice %arg11[%mul3A_11] : memref<65536xf32, #tpu.memory_space<vmem_shared>> -> memref<4096xf32, #tpu.memory_space<vmem_shared>>
      tpu.wait_dma2 semaphore(%run_scoped3A : memref<!tpu.dma_semaphore, #tpu.memory_space<semaphore_mem>>) src(%arg10 : memref<4096xf32, #tpu.memory_space<vmem>>) dst(%dma_wait3A_47 : memref<4096xf32, #tpu.memory_space<vmem_shared>>)
      tpu.yield
    }) : () -> ()
    %barrier3A = arith.constant 0 : index
    tpu.barrier barrier_id(%barrier3A)
    %mul3A_12 = arith.constant 2048 : i32
    %mul3A_13 = arith.muli %arg1, %mul3A_12 : i32
    "tpu.region"() ({
      %run_scoped3A = tpu.sem_alloc : memref<!tpu.dma_semaphore, #tpu.memory_space<semaphore_mem>>
      %dma_start3A_44 = tpu.memref_slice %arg2[%mul3A_13] : memref<32768xi32, #tpu.memory_space<hbm>> -> memref<2048xi32, #tpu.memory_space<hbm>>
      %dma_start3A_45 = tpu.memref_slice %arg2[%mul3A_13] : memref<32768xi32, #tpu.memory_space<hbm>> -> memref<2048xi32, #tpu.memory_space<hbm>>
      tpu.enqueue_dma source(%dma_start3A_45 : memref<2048xi32, #tpu.memory_space<hbm>>) target(%arg5 : memref<2048xi32, #tpu.memory_space<vmem>>) target_semaphore(%run_scoped3A : memref<!tpu.dma_semaphore, #tpu.memory_space<semaphore_mem>>)
      %dma_wait3A_46 = tpu.memref_slice %arg2[%mul3A_13] : memref<32768xi32, #tpu.memory_space<hbm>> -> memref<2048xi32, #tpu.memory_space<hbm>>
      %dma_wait3A_47 = tpu.memref_slice %arg2[%mul3A_13] : memref<32768xi32, #tpu.memory_space<hbm>> -> memref<2048xi32, #tpu.memory_space<hbm>>
      tpu.wait_dma2 semaphore(%run_scoped3A : memref<!tpu.dma_semaphore, #tpu.memory_space<semaphore_mem>>) src(%dma_wait3A_47 : memref<2048xi32, #tpu.memory_space<hbm>>) dst(%arg5 : memref<2048xi32, #tpu.memory_space<vmem>>)
      tpu.yield
    }) : () -> ()
    "tpu.region"() ({
      %run_scoped3A = tpu.sem_alloc : memref<!tpu.dma_semaphore, #tpu.memory_space<semaphore_mem>>
      %dma_start3A_44 = tpu.memref_slice %arg3[%mul3A_13] : memref<32768xi32, #tpu.memory_space<hbm>> -> memref<2048xi32, #tpu.memory_space<hbm>>
      %dma_start3A_45 = tpu.memref_slice %arg3[%mul3A_13] : memref<32768xi32, #tpu.memory_space<hbm>> -> memref<2048xi32, #tpu.memory_space<hbm>>
      tpu.enqueue_dma source(%dma_start3A_45 : memref<2048xi32, #tpu.memory_space<hbm>>) target(%arg6 : memref<2048xi32, #tpu.memory_space<vmem>>) target_semaphore(%run_scoped3A : memref<!tpu.dma_semaphore, #tpu.memory_space<semaphore_mem>>)
      %dma_wait3A_46 = tpu.memref_slice %arg3[%mul3A_13] : memref<32768xi32, #tpu.memory_space<hbm>> -> memref<2048xi32, #tpu.memory_space<hbm>>
      %dma_wait3A_47 = tpu.memref_slice %arg3[%mul3A_13] : memref<32768xi32, #tpu.memory_space<hbm>> -> memref<2048xi32, #tpu.memory_space<hbm>>
      tpu.wait_dma2 semaphore(%run_scoped3A : memref<!tpu.dma_semaphore, #tpu.memory_space<semaphore_mem>>) src(%dma_wait3A_47 : memref<2048xi32, #tpu.memory_space<hbm>>) dst(%arg6 : memref<2048xi32, #tpu.memory_space<vmem>>)
      tpu.yield
    }) : () -> ()
    %scan3A_14 = arith.constant 0 : i32
    %scan3A_15 = arith.constant 0 : i32
    %scan3A_16 = arith.constant 128 : i32
    %scan3A_17 = arith.addi %scan3A_15, %scan3A_16 : i32
    %scan3A_18 = arith.constant 1 : i32
    %scan3A_19 = scf.for %scan3A_44 = %scan3A_15 to %scan3A_17 step %scan3A_18 iter_args(%scan3A_45 = %scan3A_14) -> (i32)  : i32 {
      %mul3A_46 = arith.constant 16 : i32
      %mul3A_47 = arith.muli %scan3A_44, %mul3A_46 : i32
      %get3A = arith.index_cast %mul3A_47 : i32 to index
      %get3A_48 = tpu.vector_load %arg5[%get3A] {strides = array<i32>} : memref<2048xi32, #tpu.memory_space<vmem>>, vector<16xi32>,
      %get3A_49 = vector.shape_cast %get3A_48 : vector<16xi32> to vector<16xi32>
      %mul3A_50 = arith.constant 8 : i32
      %mul3A_51 = vector.broadcast %mul3A_50 : i32 to vector<16xi32>
      %mul3A_52 = arith.muli %get3A_49, %mul3A_51 : vector<16xi32>
      %get3A_53 = arith.index_cast %mul3A_47 : i32 to index
      %get3A_54 = tpu.vector_load %arg6[%get3A_53] {strides = array<i32>} : memref<2048xi32, #tpu.memory_space<vmem>>, vector<16xi32>,
      %get3A_55 = vector.shape_cast %get3A_54 : vector<16xi32> to vector<16xi32>
      %add3A_56 = arith.addi %mul3A_52, %get3A_55 : vector<16xi32>
      %swap3A = arith.index_cast %mul3A_47 : i32 to index
      %swap3A_57 = tpu.vector_load %arg7[%swap3A] {strides = array<i32>} : memref<2048xi32, #tpu.memory_space<vmem>>, vector<16xi32>,
      %swap3A_58 = vector.shape_cast %swap3A_57 : vector<16xi32> to vector<16xi32>
      %swap3A_59 = vector.shape_cast %add3A_56 : vector<16xi32> to vector<16xi32>
      tpu.vector_store %arg7[%swap3A], %swap3A_59 {strides = array<i32>} : memref<2048xi32, #tpu.memory_space<vmem>>, vector<16xi32>,
      %swap3A_60 = arith.index_cast %mul3A_47 : i32 to index
      %swap3A_61 = tpu.vector_load %arg8[%swap3A_60] {strides = array<i32>} : memref<2048xf32, #tpu.memory_space<vmem>>, vector<16xf32>,
      %swap3A_62 = vector.shape_cast %swap3A_61 : vector<16xf32> to vector<16xf32>
      %swap3A_63 = vector.shape_cast %broadcast_in_dim3A_3 : vector<16xf32> to vector<16xf32>
      tpu.vector_store %arg8[%swap3A_60], %swap3A_63 {strides = array<i32>} : memref<2048xf32, #tpu.memory_space<vmem>>, vector<16xf32>,
      %scan3A_64 = arith.constant 0 : i32
      scf.yield %scan3A_64 : i32
    }
    %scan3A_20 = arith.constant 128 : i32
    "tpu.region"() ({
      %run_scoped3A = tpu.sem_alloc : memref<!tpu.dma_semaphore, #tpu.memory_space<semaphore_mem>>
      %dma_start3A_44 = arith.constant 0 : i32
      %dma_start3A_45 = tpu.memref_slice %arg11[%dma_start3A_44] : memref<65536xf32, #tpu.memory_space<vmem_shared>> -> memref<65536xf32, #tpu.memory_space<vmem_shared>>
      tpu.enqueue_indirect_dma source(%arg8 : memref<2048xf32, #tpu.memory_space<vmem>>) target(%dma_start3A_45 : memref<65536xf32, #tpu.memory_space<vmem_shared>>) offsets(%arg7 : memref<2048xi32, #tpu.memory_space<vmem>>) semaphore(%run_scoped3A : memref<!tpu.dma_semaphore, #tpu.memory_space<semaphore_mem>>) {add = true}
      %dma_wait3A_46 = arith.constant 0 : i32
      %dma_wait3A_47 = tpu.memref_slice %arg11[%dma_wait3A_46] : memref<65536xf32, #tpu.memory_space<vmem_shared>> -> memref<65536xf32, #tpu.memory_space<vmem_shared>>
      tpu.wait_indirect_dma semaphore(%run_scoped3A : memref<!tpu.dma_semaphore, #tpu.memory_space<semaphore_mem>>) src(%arg8 : memref<2048xf32, #tpu.memory_space<vmem>>) dst(%dma_wait3A_47 : memref<65536xf32, #tpu.memory_space<vmem_shared>>)
      tpu.yield
    }) : () -> ()
    %barrier3A_21 = arith.constant 0 : index
    tpu.barrier barrier_id(%barrier3A_21)
    %mul3A_22 = arith.constant 1024 : i32
    %mul3A_23 = arith.muli %add3A, %mul3A_22 : i32
    "tpu.region"() ({
      %run_scoped3A = tpu.sem_alloc : memref<!tpu.dma_semaphore, #tpu.memory_space<semaphore_mem>>
      %dma_start3A_44 = arith.constant 0 : i32
      %dma_start3A_45 = tpu.memref_slice %arg5[%dma_start3A_44] : memref<2048xi32, #tpu.memory_space<vmem>> -> memref<1024xi32, #tpu.memory_space<vmem>>
      %dma_start3A_46 = tpu.memref_slice %arg2[%mul3A_23] : memref<32768xi32, #tpu.memory_space<hbm>> -> memref<1024xi32, #tpu.memory_space<hbm>>
      %dma_start3A_47 = arith.constant 0 : i32
      %dma_start3A_48 = tpu.memref_slice %arg5[%dma_start3A_47] : memref<2048xi32, #tpu.memory_space<vmem>> -> memref<1024xi32, #tpu.memory_space<vmem>>
      %dma_start3A_49 = tpu.memref_slice %arg2[%mul3A_23] : memref<32768xi32, #tpu.memory_space<hbm>> -> memref<1024xi32, #tpu.memory_space<hbm>>
      tpu.enqueue_dma source(%dma_start3A_49 : memref<1024xi32, #tpu.memory_space<hbm>>) target(%dma_start3A_48 : memref<1024xi32, #tpu.memory_space<vmem>>) target_semaphore(%run_scoped3A : memref<!tpu.dma_semaphore, #tpu.memory_space<semaphore_mem>>)
      %dma_wait3A_50 = arith.constant 0 : i32
      %dma_wait3A_51 = tpu.memref_slice %arg5[%dma_wait3A_50] : memref<2048xi32, #tpu.memory_space<vmem>> -> memref<1024xi32, #tpu.memory_space<vmem>>
      %dma_wait3A_52 = tpu.memref_slice %arg2[%mul3A_23] : memref<32768xi32, #tpu.memory_space<hbm>> -> memref<1024xi32, #tpu.memory_space<hbm>>
      %dma_wait3A_53 = arith.constant 0 : i32
      %dma_wait3A_54 = tpu.memref_slice %arg5[%dma_wait3A_53] : memref<2048xi32, #tpu.memory_space<vmem>> -> memref<1024xi32, #tpu.memory_space<vmem>>
      %dma_wait3A_55 = tpu.memref_slice %arg2[%mul3A_23] : memref<32768xi32, #tpu.memory_space<hbm>> -> memref<1024xi32, #tpu.memory_space<hbm>>
      tpu.wait_dma2 semaphore(%run_scoped3A : memref<!tpu.dma_semaphore, #tpu.memory_space<semaphore_mem>>) src(%dma_wait3A_55 : memref<1024xi32, #tpu.memory_space<hbm>>) dst(%dma_wait3A_54 : memref<1024xi32, #tpu.memory_space<vmem>>)
      tpu.yield
    }) : () -> ()
    "tpu.region"() ({
      %run_scoped3A = tpu.sem_alloc : memref<!tpu.dma_semaphore, #tpu.memory_space<semaphore_mem>>
      %dma_start3A_44 = arith.constant 0 : i32
      %dma_start3A_45 = tpu.memref_slice %arg6[%dma_start3A_44] : memref<2048xi32, #tpu.memory_space<vmem>> -> memref<1024xi32, #tpu.memory_space<vmem>>
      %dma_start3A_46 = tpu.memref_slice %arg3[%mul3A_23] : memref<32768xi32, #tpu.memory_space<hbm>> -> memref<1024xi32, #tpu.memory_space<hbm>>
      %dma_start3A_47 = arith.constant 0 : i32
      %dma_start3A_48 = tpu.memref_slice %arg6[%dma_start3A_47] : memref<2048xi32, #tpu.memory_space<vmem>> -> memref<1024xi32, #tpu.memory_space<vmem>>
      %dma_start3A_49 = tpu.memref_slice %arg3[%mul3A_23] : memref<32768xi32, #tpu.memory_space<hbm>> -> memref<1024xi32, #tpu.memory_space<hbm>>
      tpu.enqueue_dma source(%dma_start3A_49 : memref<1024xi32, #tpu.memory_space<hbm>>) target(%dma_start3A_48 : memref<1024xi32, #tpu.memory_space<vmem>>) target_semaphore(%run_scoped3A : memref<!tpu.dma_semaphore, #tpu.memory_space<semaphore_mem>>)
      %dma_wait3A_50 = arith.constant 0 : i32
      %dma_wait3A_51 = tpu.memref_slice %arg6[%dma_wait3A_50] : memref<2048xi32, #tpu.memory_space<vmem>> -> memref<1024xi32, #tpu.memory_space<vmem>>
      %dma_wait3A_52 = tpu.memref_slice %arg3[%mul3A_23] : memref<32768xi32, #tpu.memory_space<hbm>> -> memref<1024xi32, #tpu.memory_space<hbm>>
      %dma_wait3A_53 = arith.constant 0 : i32
      %dma_wait3A_54 = tpu.memref_slice %arg6[%dma_wait3A_53] : memref<2048xi32, #tpu.memory_space<vmem>> -> memref<1024xi32, #tpu.memory_space<vmem>>
      %dma_wait3A_55 = tpu.memref_slice %arg3[%mul3A_23] : memref<32768xi32, #tpu.memory_space<hbm>> -> memref<1024xi32, #tpu.memory_space<hbm>>
      tpu.wait_dma2 semaphore(%run_scoped3A : memref<!tpu.dma_semaphore, #tpu.memory_space<semaphore_mem>>) src(%dma_wait3A_55 : memref<1024xi32, #tpu.memory_space<hbm>>) dst(%dma_wait3A_54 : memref<1024xi32, #tpu.memory_space<vmem>>)
      tpu.yield
    }) : () -> ()
    %scan3A_24 = arith.constant 0 : i32
    %scan3A_25 = arith.constant 0 : i32
    %scan3A_26 = arith.constant 64 : i32
    %scan3A_27 = arith.addi %scan3A_25, %scan3A_26 : i32
    %scan3A_28 = arith.constant 1 : i32
    %scan3A_29 = scf.for %scan3A_44 = %scan3A_25 to %scan3A_27 step %scan3A_28 iter_args(%scan3A_45 = %scan3A_24) -> (i32)  : i32 {
      %mul3A_46 = arith.constant 16 : i32
      %mul3A_47 = arith.muli %scan3A_44, %mul3A_46 : i32
      %get3A = arith.index_cast %mul3A_47 : i32 to index
      %get3A_48 = tpu.vector_load %arg5[%get3A] {strides = array<i32>} : memref<2048xi32, #tpu.memory_space<vmem>>, vector<16xi32>,
      %get3A_49 = vector.shape_cast %get3A_48 : vector<16xi32> to vector<16xi32>
      %mul3A_50 = arith.constant 8 : i32
      %mul3A_51 = vector.broadcast %mul3A_50 : i32 to vector<16xi32>
      %mul3A_52 = arith.muli %get3A_49, %mul3A_51 : vector<16xi32>
      %get3A_53 = arith.index_cast %mul3A_47 : i32 to index
      %get3A_54 = tpu.vector_load %arg6[%get3A_53] {strides = array<i32>} : memref<2048xi32, #tpu.memory_space<vmem>>, vector<16xi32>,
      %get3A_55 = vector.shape_cast %get3A_54 : vector<16xi32> to vector<16xi32>
      %add3A_56 = arith.addi %mul3A_52, %get3A_55 : vector<16xi32>
      %swap3A = arith.index_cast %mul3A_47 : i32 to index
      %swap3A_57 = tpu.vector_load %arg7[%swap3A] {strides = array<i32>} : memref<2048xi32, #tpu.memory_space<vmem>>, vector<16xi32>,
      %swap3A_58 = vector.shape_cast %swap3A_57 : vector<16xi32> to vector<16xi32>
      %swap3A_59 = vector.shape_cast %add3A_56 : vector<16xi32> to vector<16xi32>
      tpu.vector_store %arg7[%swap3A], %swap3A_59 {strides = array<i32>} : memref<2048xi32, #tpu.memory_space<vmem>>, vector<16xi32>,
      %scan3A_60 = arith.constant 0 : i32
      scf.yield %scan3A_60 : i32
    }
    %scan3A_30 = arith.constant 64 : i32
    %dma_start3A = arith.constant 0 : i32
    %dma_start3A_31 = tpu.memref_slice %arg7[%dma_start3A] : memref<2048xi32, #tpu.memory_space<vmem>> -> memref<1024xi32, #tpu.memory_space<vmem>>
    %dma_start3A_32 = arith.constant 0 : i32
    %dma_start3A_33 = tpu.memref_slice %arg11[%dma_start3A_32] : memref<65536xf32, #tpu.memory_space<vmem_shared>> -> memref<65536xf32, #tpu.memory_space<vmem_shared>>
    tpu.enqueue_indirect_dma source(%dma_start3A_33 : memref<65536xf32, #tpu.memory_space<vmem_shared>>) target(%arg9 : memref<1024xf32, #tpu.memory_space<vmem>>) offsets(%dma_start3A_31 : memref<1024xi32, #tpu.memory_space<vmem>>) semaphore(%arg12 : memref<!tpu.dma_semaphore, #tpu.memory_space<semaphore_mem>>)
    %dma_wait3A = arith.constant 0 : i32
    %dma_wait3A_34 = tpu.memref_slice %arg7[%dma_wait3A] : memref<2048xi32, #tpu.memory_space<vmem>> -> memref<1024xi32, #tpu.memory_space<vmem>>
    %dma_wait3A_35 = arith.constant 0 : i32
    %dma_wait3A_36 = tpu.memref_slice %arg11[%dma_wait3A_35] : memref<65536xf32, #tpu.memory_space<vmem_shared>> -> memref<65536xf32, #tpu.memory_space<vmem_shared>>
    tpu.wait_indirect_dma semaphore(%arg12 : memref<!tpu.dma_semaphore, #tpu.memory_space<semaphore_mem>>) src(%dma_wait3A_36 : memref<65536xf32, #tpu.memory_space<vmem_shared>>) dst(%arg9 : memref<1024xf32, #tpu.memory_space<vmem>>)
    %scan3A_37 = arith.constant 0 : i32
    %scan3A_38 = arith.constant 0 : i32
    %scan3A_39 = arith.constant 64 : i32
    %scan3A_40 = arith.addi %scan3A_38, %scan3A_39 : i32
    %scan3A_41 = arith.constant 1 : i32
    %scan3A_42 = scf.for %scan3A_44 = %scan3A_38 to %scan3A_40 step %scan3A_41 iter_args(%scan3A_45 = %scan3A_37) -> (i32)  : i32 {
      %mul3A_46 = arith.constant 16 : i32
      %mul3A_47 = arith.muli %scan3A_44, %mul3A_46 : i32
      %get3A = arith.index_cast %mul3A_47 : i32 to index
      %get3A_48 = tpu.vector_load %arg9[%get3A] {strides = array<i32>} : memref<1024xf32, #tpu.memory_space<vmem>>, vector<16xf32>,
      %get3A_49 = vector.shape_cast %get3A_48 : vector<16xf32> to vector<16xf32>
      %max3A = arith.constant 1.000000e+00 : f32
      %max3A_50 = vector.broadcast %max3A : f32 to vector<16xf32>
      %max3A_51 = arith.maximumf %get3A_49, %max3A_50 : vector<16xf32>
      %div3A = arith.constant 1.000000e+00 : f32
      %div3A_52 = vector.broadcast %div3A : f32 to vector<16xf32>
      %div3A_53 = arith.divf %div3A_52, %max3A_51 : vector<16xf32>
      %swap3A = arith.index_cast %mul3A_47 : i32 to index
      %swap3A_54 = tpu.vector_load %arg9[%swap3A] {strides = array<i32>} : memref<1024xf32, #tpu.memory_space<vmem>>, vector<16xf32>,
      %swap3A_55 = vector.shape_cast %swap3A_54 : vector<16xf32> to vector<16xf32>
      %swap3A_56 = vector.shape_cast %div3A_53 : vector<16xf32> to vector<16xf32>
      tpu.vector_store %arg9[%swap3A], %swap3A_56 {strides = array<i32>} : memref<1024xf32, #tpu.memory_space<vmem>>, vector<16xf32>,
      %scan3A_57 = arith.constant 0 : i32
      scf.yield %scan3A_57 : i32
    }
    %scan3A_43 = arith.constant 64 : i32
    "tpu.region"() ({
      %run_scoped3A = tpu.sem_alloc : memref<!tpu.dma_semaphore, #tpu.memory_space<semaphore_mem>>
      %dma_start3A_44 = tpu.memref_slice %arg4[%mul3A_23] : memref<32768xf32, #tpu.memory_space<hbm>> -> memref<1024xf32, #tpu.memory_space<hbm>>
      %dma_start3A_45 = tpu.memref_slice %arg4[%mul3A_23] : memref<32768xf32, #tpu.memory_space<hbm>> -> memref<1024xf32, #tpu.memory_space<hbm>>
      tpu.enqueue_dma source(%arg9 : memref<1024xf32, #tpu.memory_space<vmem>>) target(%dma_start3A_45 : memref<1024xf32, #tpu.memory_space<hbm>>) target_semaphore(%run_scoped3A : memref<!tpu.dma_semaphore, #tpu.memory_space<semaphore_mem>>)
      %dma_wait3A_46 = tpu.memref_slice %arg4[%mul3A_23] : memref<32768xf32, #tpu.memory_space<hbm>> -> memref<1024xf32, #tpu.memory_space<hbm>>
      %dma_wait3A_47 = tpu.memref_slice %arg4[%mul3A_23] : memref<32768xf32, #tpu.memory_space<hbm>> -> memref<1024xf32, #tpu.memory_space<hbm>>
      tpu.wait_dma2 semaphore(%run_scoped3A : memref<!tpu.dma_semaphore, #tpu.memory_space<semaphore_mem>>) src(%arg9 : memref<1024xf32, #tpu.memory_space<vmem>>) dst(%dma_wait3A_47 : memref<1024xf32, #tpu.memory_space<hbm>>)
      tpu.yield
    }) : () -> ()
    return
  }
}

module attributes {stable_mosaic.version = 14 : i64} {
  func.func @_tap_matmul_body(%arg0: i32, %arg1: memref<4096x64xf32, #tpu.memory_space<vmem>>, %arg2: memref<1x3x4096xf32, #tpu.memory_space<vmem>>, %arg3: memref<1x64xf32, #tpu.memory_space<vmem>>, %arg4: memref<8x64x64xf32, #tpu.memory_space<vmem>>, %arg5: memref<4096x128xf32, #tpu.memory_space<vmem>>) attributes {dimension_semantics = [#tpu.dimension_semantics<arbitrary>], iteration_bounds = array<i64: 8>, scalar_prefetch = 0 : i64, scratch_operands = 0 : i64, tpu.core_type = #tpu.core_type<tc>, window_params = [{transform_indices = @transform_0, window_bounds = array<i64: 4096, 64>}, {transform_indices = @transform_1, window_bounds = array<i64: 1, 3, 4096>}, {pipeline_mode = #tpu.pipeline_mode<synchronous>, transform_indices = @transform_2, window_bounds = array<i64: 1, 64>}, {pipeline_mode = #tpu.pipeline_mode<synchronous>, transform_indices = @transform_3, window_bounds = array<i64: 8, 64, 64>}, {transform_indices = @transform_4, window_bounds = array<i64: 4096, 128>}]} {
    %get3A = arith.constant 0 : index
    %get3A_0 = arith.constant 0 : index
    %get3A_1 = vector.load %arg3[%get3A, %get3A_0] : memref<1x64xf32, #tpu.memory_space<vmem>>, vector<1x64xf32>
    %custom_jvp_call3A = arith.constant 0.000000e+00 : f32
    %max3A = vector.broadcast %custom_jvp_call3A : f32 to vector<1x64xf32>
    %max3A_2 = arith.maximumf %get3A_1, %max3A : vector<1x64xf32>
    %sub3A = vector.broadcast %custom_jvp_call3A : f32 to vector<1x64xf32>
    %sub3A_3 = arith.subf %get3A_1, %sub3A : vector<1x64xf32>
    %ne3A = arith.cmpf one, %sub3A_3, %sub3A_3 : vector<1x64xf32>
    %add3A = vector.broadcast %custom_jvp_call3A : f32 to vector<1x64xf32>
    %add3A_4 = arith.addf %get3A_1, %add3A : vector<1x64xf32>
    %abs3A = math.absf %sub3A_3 : vector<1x64xf32>
    %neg3A = arith.constant 0.000000e+00 : f32
    %neg3A_5 = vector.broadcast %neg3A : f32 to vector<1x64xf32>
    %neg3A_6 = arith.subf %neg3A_5, %abs3A : vector<1x64xf32>
    %exp3A = math.exp %neg3A_6 : vector<1x64xf32>
    %log1p3A = math.log1p %exp3A : vector<1x64xf32>
    %add3A_7 = arith.addf %max3A_2, %log1p3A : vector<1x64xf32>
    %select_n3A = arith.select %ne3A, %add3A_4, %add3A_7 : vector<1x64xi1>, vector<1x64xf32>
    %get3A_8 = arith.constant 0 : index
    %get3A_9 = arith.constant 0 : index
    %get3A_10 = arith.constant 0 : index
    %get3A_11 = vector.load %arg2[%get3A_8, %get3A_9, %get3A_10] : memref<1x3x4096xf32, #tpu.memory_space<vmem>>, vector<1x3x4096xf32>
    %get3A_12 = vector.shape_cast %get3A_11 : vector<1x3x4096xf32> to vector<3x4096xf32>
    %transpose3A = tpu.transpose %get3A_12, [1, 0] : vector<3x4096xf32> -> vector<4096x3xf32>
    %slice3A = vector.extract_strided_slice %transpose3A {offsets = [0, 0], sizes = [4096, 1], strides = [1, 1]} : vector<4096x3xf32> to vector<4096x1xf32>
    %slice3A_13 = vector.extract_strided_slice %transpose3A {offsets = [0, 1], sizes = [4096, 1], strides = [1, 1]} : vector<4096x3xf32> to vector<4096x1xf32>
    %slice3A_14 = vector.extract_strided_slice %transpose3A {offsets = [0, 2], sizes = [4096, 1], strides = [1, 1]} : vector<4096x3xf32> to vector<4096x1xf32>
    %neg3A_15 = arith.constant 0.000000e+00 : f32
    %neg3A_16 = vector.broadcast %neg3A_15 : f32 to vector<4096x1xf32>
    %neg3A_17 = arith.subf %neg3A_16, %slice3A : vector<4096x1xf32>
    %mul3A = vector.broadcast %neg3A_17 : vector<4096x1xf32> to vector<4096x64xf32>
    %mul3A_18 = vector.broadcast %select_n3A : vector<1x64xf32> to vector<4096x64xf32>
    %mul3A_19 = arith.mulf %mul3A, %mul3A_18 : vector<4096x64xf32>
    %exp3A_20 = math.exp %mul3A_19 : vector<4096x64xf32>
    %get3A_21 = arith.constant 0 : index
    %get3A_22 = arith.constant 0 : index
    %get3A_23 = vector.load %arg1[%get3A_21, %get3A_22] : memref<4096x64xf32, #tpu.memory_space<vmem>>, vector<4096x64xf32>
    %mul3A_24 = arith.mulf %get3A_23, %exp3A_20 : vector<4096x64xf32>
    %mul3A_25 = vector.broadcast %slice3A_13 : vector<4096x1xf32> to vector<4096x64xf32>
    %mul3A_26 = arith.mulf %mul3A_24, %mul3A_25 : vector<4096x64xf32>
    %get3A_27 = arith.constant 0 : index
    %get3A_28 = arith.constant 0 : index
    %get3A_29 = arith.constant 0 : index
    %get3A_30 = vector.load %arg4[%get3A_27, %get3A_28, %get3A_29] : memref<8x64x64xf32, #tpu.memory_space<vmem>>, vector<1x64x64xf32>
    %get3A_31 = vector.shape_cast %get3A_30 : vector<1x64x64xf32> to vector<64x64xf32>
    %dot_general3A = arith.constant dense<0.000000e+00> : vector<4096x64xf32>
    %dot_general3A_32 = tpu.matmul %mul3A_26, %get3A_31, %dot_general3A {dimension_numbers = #tpu.dot_dimension_numbers<[1], [0], [0], [1], [0, 0, 1, 1], [], []>, transpose_lhs_hint = false} : vector<4096x64xf32>, vector<64x64xf32>, vector<4096x64xf32> -> vector<4096x64xf32>
    %get3A_33 = arith.constant 1 : index
    %get3A_34 = arith.constant 0 : index
    %get3A_35 = arith.constant 0 : index
    %get3A_36 = vector.load %arg4[%get3A_33, %get3A_34, %get3A_35] : memref<8x64x64xf32, #tpu.memory_space<vmem>>, vector<1x64x64xf32>
    %get3A_37 = vector.shape_cast %get3A_36 : vector<1x64x64xf32> to vector<64x64xf32>
    %dot_general3A_38 = arith.constant dense<0.000000e+00> : vector<4096x64xf32>
    %dot_general3A_39 = tpu.matmul %mul3A_26, %get3A_37, %dot_general3A_38 {dimension_numbers = #tpu.dot_dimension_numbers<[1], [0], [0], [1], [0, 0, 1, 1], [], []>, transpose_lhs_hint = false} : vector<4096x64xf32>, vector<64x64xf32>, vector<4096x64xf32> -> vector<4096x64xf32>
    %eq3A = arith.constant 1.000000e+00 : f32
    %eq3A_40 = vector.broadcast %eq3A : f32 to vector<4096x1xf32>
    %eq3A_41 = arith.cmpf oeq, %slice3A_14, %eq3A_40 : vector<4096x1xf32>
    %broadcast_in_dim3A = vector.shape_cast %eq3A_41 : vector<4096x1xi1> to vector<4096x1xi1>
    %broadcast_in_dim3A_42 = vector.broadcast %broadcast_in_dim3A : vector<4096x1xi1> to vector<4096x64xi1>
    %select_n3A_43 = arith.select %broadcast_in_dim3A_42, %dot_general3A_39, %dot_general3A_32 : vector<4096x64xi1>, vector<4096x64xf32>
    %get3A_44 = arith.constant 2 : index
    %get3A_45 = arith.constant 0 : index
    %get3A_46 = arith.constant 0 : index
    %get3A_47 = vector.load %arg4[%get3A_44, %get3A_45, %get3A_46] : memref<8x64x64xf32, #tpu.memory_space<vmem>>, vector<1x64x64xf32>
    %get3A_48 = vector.shape_cast %get3A_47 : vector<1x64x64xf32> to vector<64x64xf32>
    %dot_general3A_49 = arith.constant dense<0.000000e+00> : vector<4096x64xf32>
    %dot_general3A_50 = tpu.matmul %mul3A_26, %get3A_48, %dot_general3A_49 {dimension_numbers = #tpu.dot_dimension_numbers<[1], [0], [0], [1], [0, 0, 1, 1], [], []>, transpose_lhs_hint = false} : vector<4096x64xf32>, vector<64x64xf32>, vector<4096x64xf32> -> vector<4096x64xf32>
    %eq3A_51 = arith.constant 2.000000e+00 : f32
    %eq3A_52 = vector.broadcast %eq3A_51 : f32 to vector<4096x1xf32>
    %eq3A_53 = arith.cmpf oeq, %slice3A_14, %eq3A_52 : vector<4096x1xf32>
    %broadcast_in_dim3A_54 = vector.shape_cast %eq3A_53 : vector<4096x1xi1> to vector<4096x1xi1>
    %broadcast_in_dim3A_55 = vector.broadcast %broadcast_in_dim3A_54 : vector<4096x1xi1> to vector<4096x64xi1>
    %select_n3A_56 = arith.select %broadcast_in_dim3A_55, %dot_general3A_50, %select_n3A_43 : vector<4096x64xi1>, vector<4096x64xf32>
    %get3A_57 = arith.constant 3 : index
    %get3A_58 = arith.constant 0 : index
    %get3A_59 = arith.constant 0 : index
    %get3A_60 = vector.load %arg4[%get3A_57, %get3A_58, %get3A_59] : memref<8x64x64xf32, #tpu.memory_space<vmem>>, vector<1x64x64xf32>
    %get3A_61 = vector.shape_cast %get3A_60 : vector<1x64x64xf32> to vector<64x64xf32>
    %dot_general3A_62 = arith.constant dense<0.000000e+00> : vector<4096x64xf32>
    %dot_general3A_63 = tpu.matmul %mul3A_26, %get3A_61, %dot_general3A_62 {dimension_numbers = #tpu.dot_dimension_numbers<[1], [0], [0], [1], [0, 0, 1, 1], [], []>, transpose_lhs_hint = false} : vector<4096x64xf32>, vector<64x64xf32>, vector<4096x64xf32> -> vector<4096x64xf32>
    %eq3A_64 = arith.constant 3.000000e+00 : f32
    %eq3A_65 = vector.broadcast %eq3A_64 : f32 to vector<4096x1xf32>
    %eq3A_66 = arith.cmpf oeq, %slice3A_14, %eq3A_65 : vector<4096x1xf32>
    %broadcast_in_dim3A_67 = vector.shape_cast %eq3A_66 : vector<4096x1xi1> to vector<4096x1xi1>
    %broadcast_in_dim3A_68 = vector.broadcast %broadcast_in_dim3A_67 : vector<4096x1xi1> to vector<4096x64xi1>
    %select_n3A_69 = arith.select %broadcast_in_dim3A_68, %dot_general3A_63, %select_n3A_56 : vector<4096x64xi1>, vector<4096x64xf32>
    %get3A_70 = arith.constant 4 : index
    %get3A_71 = arith.constant 0 : index
    %get3A_72 = arith.constant 0 : index
    %get3A_73 = vector.load %arg4[%get3A_70, %get3A_71, %get3A_72] : memref<8x64x64xf32, #tpu.memory_space<vmem>>, vector<1x64x64xf32>
    %get3A_74 = vector.shape_cast %get3A_73 : vector<1x64x64xf32> to vector<64x64xf32>
    %dot_general3A_75 = arith.constant dense<0.000000e+00> : vector<4096x64xf32>
    %dot_general3A_76 = tpu.matmul %mul3A_26, %get3A_74, %dot_general3A_75 {dimension_numbers = #tpu.dot_dimension_numbers<[1], [0], [0], [1], [0, 0, 1, 1], [], []>, transpose_lhs_hint = false} : vector<4096x64xf32>, vector<64x64xf32>, vector<4096x64xf32> -> vector<4096x64xf32>
    %eq3A_77 = arith.constant 4.000000e+00 : f32
    %eq3A_78 = vector.broadcast %eq3A_77 : f32 to vector<4096x1xf32>
    %eq3A_79 = arith.cmpf oeq, %slice3A_14, %eq3A_78 : vector<4096x1xf32>
    %broadcast_in_dim3A_80 = vector.shape_cast %eq3A_79 : vector<4096x1xi1> to vector<4096x1xi1>
    %broadcast_in_dim3A_81 = vector.broadcast %broadcast_in_dim3A_80 : vector<4096x1xi1> to vector<4096x64xi1>
    %select_n3A_82 = arith.select %broadcast_in_dim3A_81, %dot_general3A_76, %select_n3A_69 : vector<4096x64xi1>, vector<4096x64xf32>
    %get3A_83 = arith.constant 5 : index
    %get3A_84 = arith.constant 0 : index
    %get3A_85 = arith.constant 0 : index
    %get3A_86 = vector.load %arg4[%get3A_83, %get3A_84, %get3A_85] : memref<8x64x64xf32, #tpu.memory_space<vmem>>, vector<1x64x64xf32>
    %get3A_87 = vector.shape_cast %get3A_86 : vector<1x64x64xf32> to vector<64x64xf32>
    %dot_general3A_88 = arith.constant dense<0.000000e+00> : vector<4096x64xf32>
    %dot_general3A_89 = tpu.matmul %mul3A_26, %get3A_87, %dot_general3A_88 {dimension_numbers = #tpu.dot_dimension_numbers<[1], [0], [0], [1], [0, 0, 1, 1], [], []>, transpose_lhs_hint = false} : vector<4096x64xf32>, vector<64x64xf32>, vector<4096x64xf32> -> vector<4096x64xf32>
    %eq3A_90 = arith.constant 5.000000e+00 : f32
    %eq3A_91 = vector.broadcast %eq3A_90 : f32 to vector<4096x1xf32>
    %eq3A_92 = arith.cmpf oeq, %slice3A_14, %eq3A_91 : vector<4096x1xf32>
    %broadcast_in_dim3A_93 = vector.shape_cast %eq3A_92 : vector<4096x1xi1> to vector<4096x1xi1>
    %broadcast_in_dim3A_94 = vector.broadcast %broadcast_in_dim3A_93 : vector<4096x1xi1> to vector<4096x64xi1>
    %select_n3A_95 = arith.select %broadcast_in_dim3A_94, %dot_general3A_89, %select_n3A_82 : vector<4096x64xi1>, vector<4096x64xf32>
    %get3A_96 = arith.constant 6 : index
    %get3A_97 = arith.constant 0 : index
    %get3A_98 = arith.constant 0 : index
    %get3A_99 = vector.load %arg4[%get3A_96, %get3A_97, %get3A_98] : memref<8x64x64xf32, #tpu.memory_space<vmem>>, vector<1x64x64xf32>
    %get3A_100 = vector.shape_cast %get3A_99 : vector<1x64x64xf32> to vector<64x64xf32>
    %dot_general3A_101 = arith.constant dense<0.000000e+00> : vector<4096x64xf32>
    %dot_general3A_102 = tpu.matmul %mul3A_26, %get3A_100, %dot_general3A_101 {dimension_numbers = #tpu.dot_dimension_numbers<[1], [0], [0], [1], [0, 0, 1, 1], [], []>, transpose_lhs_hint = false} : vector<4096x64xf32>, vector<64x64xf32>, vector<4096x64xf32> -> vector<4096x64xf32>
    %eq3A_103 = arith.constant 6.000000e+00 : f32
    %eq3A_104 = vector.broadcast %eq3A_103 : f32 to vector<4096x1xf32>
    %eq3A_105 = arith.cmpf oeq, %slice3A_14, %eq3A_104 : vector<4096x1xf32>
    %broadcast_in_dim3A_106 = vector.shape_cast %eq3A_105 : vector<4096x1xi1> to vector<4096x1xi1>
    %broadcast_in_dim3A_107 = vector.broadcast %broadcast_in_dim3A_106 : vector<4096x1xi1> to vector<4096x64xi1>
    %select_n3A_108 = arith.select %broadcast_in_dim3A_107, %dot_general3A_102, %select_n3A_95 : vector<4096x64xi1>, vector<4096x64xf32>
    %get3A_109 = arith.constant 7 : index
    %get3A_110 = arith.constant 0 : index
    %get3A_111 = arith.constant 0 : index
    %get3A_112 = vector.load %arg4[%get3A_109, %get3A_110, %get3A_111] : memref<8x64x64xf32, #tpu.memory_space<vmem>>, vector<1x64x64xf32>
    %get3A_113 = vector.shape_cast %get3A_112 : vector<1x64x64xf32> to vector<64x64xf32>
    %dot_general3A_114 = arith.constant dense<0.000000e+00> : vector<4096x64xf32>
    %dot_general3A_115 = tpu.matmul %mul3A_26, %get3A_113, %dot_general3A_114 {dimension_numbers = #tpu.dot_dimension_numbers<[1], [0], [0], [1], [0, 0, 1, 1], [], []>, transpose_lhs_hint = false} : vector<4096x64xf32>, vector<64x64xf32>, vector<4096x64xf32> -> vector<4096x64xf32>
    %eq3A_116 = arith.constant 7.000000e+00 : f32
    %eq3A_117 = vector.broadcast %eq3A_116 : f32 to vector<4096x1xf32>
    %eq3A_118 = arith.cmpf oeq, %slice3A_14, %eq3A_117 : vector<4096x1xf32>
    %broadcast_in_dim3A_119 = vector.shape_cast %eq3A_118 : vector<4096x1xi1> to vector<4096x1xi1>
    %broadcast_in_dim3A_120 = vector.broadcast %broadcast_in_dim3A_119 : vector<4096x1xi1> to vector<4096x64xi1>
    %select_n3A_121 = arith.select %broadcast_in_dim3A_120, %dot_general3A_115, %select_n3A_108 : vector<4096x64xi1>, vector<4096x64xf32>
    %broadcast_in_dim3A_122 = arith.constant 0.000000e+00 : f32
    %broadcast_in_dim3A_123 = vector.broadcast %broadcast_in_dim3A_122 : f32 to vector<4096x64xf32>
    %concatenate3A = tpu.concatenate %select_n3A_121, %broadcast_in_dim3A_123 in 1 : vector<4096x64xf32>, vector<4096x64xf32> -> vector<4096x128xf32>
    %swap3A = arith.constant 0 : index
    %swap3A_124 = arith.constant 0 : index
    %swap3A_125 = vector.load %arg5[%swap3A, %swap3A_124] : memref<4096x128xf32, #tpu.memory_space<vmem>>, vector<4096x128xf32>
    tpu.vector_store %arg5[%swap3A, %swap3A_124], %concatenate3A {strides = array<i32>} : memref<4096x128xf32, #tpu.memory_space<vmem>>, vector<4096x128xf32>,
    return
  }
  func.func @transform_0(%arg0: i32) -> (i32, i32) {
    %c0_i32 = arith.constant 0 : i32
    %c0_i32_0 = arith.constant 0 : i32
    return %arg0, %c0_i32 : i32, i32
  }
  func.func @transform_1(%arg0: i32) -> (i32, i32, i32) {
    %c0_i32 = arith.constant 0 : i32
    %c0_i32_0 = arith.constant 0 : i32
    %c0_i32_1 = arith.constant 0 : i32
    return %arg0, %c0_i32, %c0_i32_0 : i32, i32, i32
  }
  func.func @transform_2(%arg0: i32) -> (i32, i32) {
    %c0_i32 = arith.constant 0 : i32
    %c0_i32_0 = arith.constant 0 : i32
    %c0_i32_1 = arith.constant 0 : i32
    return %c0_i32, %c0_i32_0 : i32, i32
  }
  func.func @transform_3(%arg0: i32) -> (i32, i32, i32) {
    %c0_i32 = arith.constant 0 : i32
    %c0_i32_0 = arith.constant 0 : i32
    %c0_i32_1 = arith.constant 0 : i32
    %c0_i32_2 = arith.constant 0 : i32
    return %c0_i32, %c0_i32_0, %c0_i32_1 : i32, i32, i32
  }
  func.func @transform_4(%arg0: i32) -> (i32, i32) {
    %c0_i32 = arith.constant 0 : i32
    %c0_i32_0 = arith.constant 0 : i32
    return %arg0, %c0_i32 : i32, i32
  }
}

module attributes {stable_mosaic.version = 14 : i64} {
  func.func @_combine_body(%arg0: i32, %arg1: memref<2x2048x128xf32, #tpu.memory_space<vmem>>, %arg2: memref<1x64xf32, #tpu.memory_space<vmem>>, %arg3: memref<2048x64xf32, #tpu.memory_space<vmem>>) attributes {dimension_semantics = [#tpu.dimension_semantics<arbitrary>], iteration_bounds = array<i64: 4>, scalar_prefetch = 0 : i64, scratch_operands = 0 : i64, tpu.core_type = #tpu.core_type<tc>, window_params = [{transform_indices = @transform_0, window_bounds = array<i64: 2, 2048, 128>}, {pipeline_mode = #tpu.pipeline_mode<synchronous>, transform_indices = @transform_1, window_bounds = array<i64: 1, 64>}, {transform_indices = @transform_2, window_bounds = array<i64: 2048, 64>}]} {
    %get3A = arith.constant 0 : index
    %get3A_0 = arith.constant 0 : index
    %get3A_1 = arith.constant 0 : index
    %get3A_2 = vector.load %arg1[%get3A, %get3A_0, %get3A_1] : memref<2x2048x128xf32, #tpu.memory_space<vmem>>, vector<2x2048x128xf32>
    %slice3A = vector.extract_strided_slice %get3A_2 {offsets = [0, 0, 0], sizes = [1, 2048, 64], strides = [1, 1, 1]} : vector<2x2048x128xf32> to vector<1x2048x64xf32>
    %squeeze3A = vector.shape_cast %slice3A : vector<1x2048x64xf32> to vector<2048x64xf32>
    %slice3A_3 = vector.extract_strided_slice %get3A_2 {offsets = [1, 0, 0], sizes = [1, 2048, 64], strides = [1, 1, 1]} : vector<2x2048x128xf32> to vector<1x2048x64xf32>
    %squeeze3A_4 = vector.shape_cast %slice3A_3 : vector<1x2048x64xf32> to vector<2048x64xf32>
    %add3A = arith.addf %squeeze3A, %squeeze3A_4 : vector<2048x64xf32>
    %get3A_5 = arith.constant 0 : index
    %get3A_6 = arith.constant 0 : index
    %get3A_7 = vector.load %arg2[%get3A_5, %get3A_6] : memref<1x64xf32, #tpu.memory_space<vmem>>, vector<1x64xf32>
    %add3A_8 = vector.broadcast %get3A_7 : vector<1x64xf32> to vector<2048x64xf32>
    %add3A_9 = arith.addf %add3A, %add3A_8 : vector<2048x64xf32>
    %swap3A = arith.constant 0 : index
    %swap3A_10 = arith.constant 0 : index
    %swap3A_11 = vector.load %arg3[%swap3A, %swap3A_10] : memref<2048x64xf32, #tpu.memory_space<vmem>>, vector<2048x64xf32>
    tpu.vector_store %arg3[%swap3A, %swap3A_10], %add3A_9 {strides = array<i32>} : memref<2048x64xf32, #tpu.memory_space<vmem>>, vector<2048x64xf32>,
    return
  }
  func.func @transform_0(%arg0: i32) -> (i32, i32, i32) {
    %c0_i32 = arith.constant 0 : i32
    %c0_i32_0 = arith.constant 0 : i32
    %c0_i32_1 = arith.constant 0 : i32
    return %c0_i32, %arg0, %c0_i32_0 : i32, i32, i32
  }
  func.func @transform_1(%arg0: i32) -> (i32, i32) {
    %c0_i32 = arith.constant 0 : i32
    %c0_i32_0 = arith.constant 0 : i32
    %c0_i32_1 = arith.constant 0 : i32
    return %c0_i32, %c0_i32_0 : i32, i32
  }
  func.func @transform_2(%arg0: i32) -> (i32, i32) {
    %c0_i32 = arith.constant 0 : i32
    %c0_i32_0 = arith.constant 0 : i32
    return %arg0, %c0_i32 : i32, i32
  }
}

</mosaic_0001>

<sc_bundles>
// kernel: kernel.10.cloned.1.call-start
scs
__scs_entry_jumppad:
0x0: {  	(pc) =	sbr.rel $0x88, $3  }
0x1: {  	(tag) =	ssettag $0x0;
	lr =	simm.s32 $0x1  }
0x2: {  	[smem:$0x3F9A] =	sst lr;
	_ =	strace $0xD0000000  }
0x3: {  	_ = 	snop  }
0x4: {  	_ = 	snop  }
0x5: {  	_ = 	snop  }
0x6: {  	_ = 	snop  }
0x7: {  	_ = 	snop  }
__scs_overlays_trampoline_lowered:
0x8: {  	[smem:$0x3FA9] =	sst s0  }
0x9: {  	[smem:$0x3FAA] =	sst s1  }
0xa: {  	[smem:$0x3FAB] =	sst s2  }
0xb: {  	[smem:$0x3FAC] =	sst s3  }
0xc: {  	[smem:$0x3FAD] =	sst s4  }
0xd: {  	[smem:$0x3FAE] =	sst s5  }
0xe: {  	[smem:$0x3FAF] =	sst s6  }
0xf: {  	[smem:$0x3FB0] =	sst s7  }
0x10: {  	[smem:$0x3FB1] =	sst s8  }
0x11: {  	[smem:$0x3FB2] =	sst s9;
	s0 =	simm.s32 @!p0 $0x0  }
0x12: {  	s1 =	sld [smem:$0x3F98];
	s0 =	simm.s32 @p0 $0x1  }
0x13: {  	[smem:$0x3FB3] =	sst s0;
	s0 =	simm.s32 @!p1 $0x0  }
0x14: {  	s2 =	sld [smem:$0x3F97];
	s0 =	simm.s32 @p1 $0x1  }
0x15: {  	[smem:$0x3FB4] =	sst s0;
	s0 =	simm.s32 @!p2 $0x0  }
0x16: {  	s3 =	sld [smem:$0x3FDB];
	s0 =	simm.s32 @p2 $0x1  }
0x17: {  	s4 =	simm.s32 $0x1BF5;
	[smem:$0x3FB6] =	sst s0  }
0x18: {  	s0 =	sld [smem:$0x3F99];
	_ =	swait.ge [sflag:s4], $0x0  }
0x19: {  	s7 =	sld [smem:$0x3F9A]  }
0x1a: {  	s8 =	sadd.s32 $0xFFFFE003, lr  }
0x1b: {  	s9 =	sadd.s32 $0xFFFFFEF7, lr;
	s5 =	simm.s32 $0xFFFFFFFF;
	p2 =	slt.u32 s8, $0xFFFFF086  }
0x1c: {  	p1 =	slt.u32 s9, $0xF7A;
	s5 =	simm.s32 @!p2 $0x0  }
0x1d: {  	s5 =	simm.s32 @p1 $0x1;
	p0 =	seq.s32 s7, s2  }
0x1e: {  	s7 =	smul.u32 @!p0 $0xF7A, s2;
	p2 =	seq.s32 @!p0 s5, $0x0  }
0x1f: {  	s9 =	smul.u32 $0xF7A, s1;
	s8 =	simm.s32 @!p0 $0x1BF5;
	p2 =	por !p2, p0  }
0x20: {  	[sflag:s8] =	ssyncset.s32 @!p0 $0xFFFFF086;
	s6 =	sadd.s32 @!p0 s3, s7;
	s7 =	simm.s32 @!p0 $0x108  }
0x21: {  	s3 =	sadd.s32 s3, s9;
	s6 =	sadd.s32 @!p0 $0x88, s6;
	s7 =	simm.s32 @p2 $0x1082  }
0x22: {  	[simem:s7], [sflag:s8] =	dma.local @!p0 [hbm:s6], $0xF7A  }
0x23: {  	s9 =	sor.u32 $0xD0000000, s2;
	s6 =	simm.s32 $0x108;
	_ =	swait.ge @!p0 [sflag:s8], $0x0  }
0x24: {  	s3 =	sadd.s32 $0x88, s3;
	s6 =	simm.s32 @!p1 $0x1082;
	[sflag:s4] =	ssyncset.s32 $0xFFFFF086  }
0x25: {  	[simem:s6], [sflag:s4] =	dma.local [hbm:s3], $0xF7A  }
0x26: {  	[smem:$0x3F9A] =	sst s1;
	(tag) =	ssettag s2;
	_ =	strace s9  }
0x27: {  	s1 =	sld [smem:$0x3FAA]  }
0x28: {  	s2 =	sld [smem:$0x3FAB]  }
0x29: {  	s4 =	sld [smem:$0x3FAD]  }
0x2a: {  	p0 =	seq.s32 s5, $0x0;
	s5 =	sld [smem:$0x3FAE]  }
0x2b: {  	s6 =	sld [smem:$0x3FAF]  }
0x2c: {  	s7 =	sld [smem:$0x3FB0]  }
0x2d: {  	s3 =	simm.s32 $0x108;
	s8 =	sld [smem:$0x3FB1]  }
0x2e: {  	s3 =	simm.s32 @!p0 $0x1082;
	s9 =	sld [smem:$0x3FB2]  }
0x2f: {  	lr =	sadd.s32 s0, s3;
	s0 =	sld [smem:$0x3FA9]  }
0x30: {  	s3 =	sld [smem:$0x3FAC]  }
0x31: {  	[smem:$0x3FB5] =	sst s10  }
0x32: {  	s10 =	sld [smem:$0x3FB3];
	_ =	sdelay $0x3  }
0x33: {  	p0 =	seq.s32 s10, $0x1;
	s10 =	sld [smem:$0x3FB5];
	_ =	sdelay $0x3  }
0x34: {  	[smem:$0x3FB5] =	sst s10  }
0x35: {  	s10 =	sld [smem:$0x3FB4];
	_ =	sdelay $0x3  }
0x36: {  	p1 =	seq.s32 s10, $0x1;
	s10 =	sld [smem:$0x3FB5];
	_ =	sdelay $0x3  }
0x37: {  	[smem:$0x3FB5] =	sst s10  }
0x38: {  	s10 =	sld [smem:$0x3FB6]  }
0x39: {  	_ = 	snop;
	(pc) =	sbr.ind lr, $3  }
0x3a: {  	_ = 	snop  }
0x3b: {  	_ = 	snop  }
0x3c: {  	p2 =	seq.s32 s10, $0x1;
	s10 =	sld [smem:$0x3FB5]  }
0x3d: {  	_ =	shalt  }
0x3e: {  	_ =	shalt  }
0x3f: {  	_ =	shalt  }
0x40: {  	_ =	shalt  }
0x41: {  	_ =	shalt  }
0x42: {  	_ =	shalt  }
0x43: {  	_ =	shalt  }
0x44: {  	_ =	shalt  }
0x45: {  	_ =	shalt  }
0x46: {  	_ =	shalt  }
0x47: {  	_ =	shalt  }
0x48: {  	_ =	shalt  }
0x49: {  	_ =	shalt  }
0x4a: {  	_ =	shalt  }
0x4b: {  	_ =	shalt  }
0x4c: {  	_ =	shalt  }
0x4d: {  	_ =	shalt  }
0x4e: {  	_ =	shalt  }
0x4f: {  	_ =	shalt  }
0x50: {  	_ =	shalt  }
0x51: {  	_ =	shalt  }
0x52: {  	_ =	shalt  }
0x53: {  	_ =	shalt  }
0x54: {  	_ =	shalt  }
0x55: {  	_ =	shalt  }
0x56: {  	_ =	shalt  }
0x57: {  	_ =	shalt  }
0x58: {  	_ =	shalt  }
0x59: {  	_ =	shalt  }
0x5a: {  	_ =	shalt  }
0x5b: {  	_ =	shalt  }
0x5c: {  	_ =	shalt  }
0x5d: {  	_ =	shalt  }
0x5e: {  	_ =	shalt  }
0x5f: {  	_ =	shalt  }
0x60: {  	_ =	shalt  }
0x61: {  	_ =	shalt  }
0x62: {  	_ =	shalt  }
0x63: {  	_ =	shalt  }
0x64: {  	_ =	shalt  }
0x65: {  	_ =	shalt  }
0x66: {  	_ =	shalt  }
0x67: {  	_ =	shalt  }
0x68: {  	_ =	shalt  }
0x69: {  	_ =	shalt  }
0x6a: {  	_ =	shalt  }
0x6b: {  	_ =	shalt  }
0x6c: {  	_ =	shalt  }
0x6d: {  	_ =	shalt  }
0x6e: {  	_ =	shalt  }
0x6f: {  	_ =	shalt  }
0x70: {  	_ =	shalt  }
0x71: {  	_ =	shalt  }
0x72: {  	_ =	shalt  }
0x73: {  	_ =	shalt  }
0x74: {  	_ =	shalt  }
0x75: {  	_ =	shalt  }
0x76: {  	_ =	shalt  }
0x77: {  	_ =	shalt  }
0x78: {  	_ =	shalt  }
0x79: {  	_ =	shalt  }
0x7a: {  	_ =	shalt  }
0x7b: {  	_ =	shalt  }
0x7c: {  	_ =	shalt  }
0x7d: {  	_ =	shalt  }
0x7e: {  	_ =	shalt  }
0x7f: {  	_ =	shalt  }
0x80: {  	_ =	shalt  }
0x81: {  	_ =	shalt  }
0x82: {  	_ =	shalt  }
0x83: {  	_ =	shalt  }
0x84: {  	_ =	shalt  }
0x85: {  	_ =	shalt  }
0x86: {  	_ =	shalt  }
0x87: {  	_ =	shalt  }
.Lfunc_end0:
.L_simem_size_0:
called_computation.1_lowered:
.L_overlay_start_0:
0x88: {  	s2 =	sld [smem:$0x3FD9]  }
0x89: {  	s3 =	sld [smem:$0x3FFE];
	_ =	sdelay $0x1  }
0x8a: {  	s1 =	srdreg.scid  }
0x8b: {  	s0 =	sand.u32 $0x1, s1  }
0x8c: {  	s17 =	sshll.u32 s0, $0xA;
	s2 =	sadd.s32 s3, s2  }
0x8d: {  	s2 =	sadd.s32 s2, s17  }
0x8e: {  	[smem:$0x3FC1] =	sst s2  }
0x8f: {  	_ = 	snop  }
0x90: {  	s2 =	sld [smem:$0x3FC6];
	(tm) =	ssettm $0x1  }
0x91: {  	s18 =	sld [smem:$0x3FFB];
	_ =	sdelay $0x3  }
0x92: {  	_ =	strace s18  }
0x93: {  	s3 =	sld [smem:$0x3FFC];
	_ =	sdelay $0x3  }
0x94: {  	_ =	strace s3  }
0x95: {  	s3 =	sld [smem:$0x3FFD];
	_ =	sdelay $0x3  }
0x96: {  	_ =	strace s3  }
0x97: {  	_ =	strace $0x8FFFFFFF  }
0x98: {  	s19 =	sld [smem:$0x3FDB];
	_ =	sdelay $0x1  }
0x99: {  	s4 =	simm.s32 $_scs_section_size  }
0x9a: {  	s5 =	simm.s32 $_size__tile_overlayer_lowered;
	s6 =	simm.s32 $_tile_overlayer_lowered  }
0x9b: {  	s22 =	simm.s32 $0x1BFF;
	s21 =	sshll.u32 s6, $0x1;
	s3 =	sadd.s32 s4, s19  }
0x9c: {  	s7 =	simm.s32 $0x0;
	s20 =	sshll.u32 s5, $0x1;
	s5 =	sadd.s32 s21, s3  }
0x9d: {  	[timem:s7], [sflag:s22] =	dma.local [hbm:s5], s20  }
0x9e: {  	_ =	swait.ge [sflag:s22], s20  }
0x9f: {  	s4 =	ssub.s32 $0x0, s20;
	[sflag:s22] =	ssyncset.done $0x0  }
0xa0: {  	[sflag:s22] =	ssyncadd.s32 s4;
	_ =	sdelay $0x1  }
0xa1: {  	s23 =	simm.s32 $0x1B8B  }
0xa2: {  	_ =	swait.ge [sflag:s23], $0x1  }
0xa3: {  	[sflag:s23] =	ssyncset.done $0x0  }
0xa4: {  	s25 =	simm.s32 $0x1B8E;
	s24 =	sld [smem:$0x3FFE];
	[sflag:s23] =	ssyncadd.s32 $0xFFFFFFFF  }
0xa5: {  	s26 =	simm.s32 $execute0_lowered;
	[smem:$0x3FD2] =	sst s25  }
0xa6: {  	s5 =	sshll.u32 s26, $0x1;
	_ =	strace $0x80000049;
	[dreg:$0x1] =	wrdreg $0xFFFFFFFF  }
0xa7: {  	s28 =	simm.s32 $_size_execute0_lowered;
	s3 =	sadd.s32 s3, s5;
	[dreg:$0x0] =	wrdreg $0x0  }
0xa8: {  	s5 =	sshll.u32 s28, $0x1;
	[dreg:$0x2] =	wrdreg s3  }
0xa9: {  	[dreg:$0x3] =	wrdreg s5  }
0xaa: {  	[dreg:$0x4] =	wrdreg $0xC0  }
0xab: {  	_ =	task [dreg:s7], $0x5FFFF  }
0xac: {  	[dreg:$0x1] =	wrdreg $0xFFFFFFFF  }
0xad: {  	[dreg:$0x0] =	wrdreg $0x60  }
0xae: {  	[dreg:$0x2] =	wrdreg s24  }
0xaf: {  	[dreg:$0x3] =	wrdreg s2  }
0xb0: {  	[dreg:$0x4] =	wrdreg $0xA1000  }
0xb1: {  	[dreg:$0x5] =	wrdreg $0x9  }
0xb2: {  	_ =	task.clear_ibuf [dreg:s7], $0x6FFFF;
	_ =	strace $0x90000049  }
0xb3: {  	s29 =	simm.s32 $0x9;
	_ =	strace $0x8000004B  }
0xb4: {  	_ =	swait.ge [sflag:s29], $0x1  }
0xb5: {  	[sflag:s29] =	ssyncadd.s32 $0xFFFFFFFF  }
0xb6: {  	_ =	strace $0x9000004B  }
0xb7: {  	_ =	sfence  }
0xb8: {  	s30 =	sld [smem:$0x0];
	_ =	sdelay $0x2  }
0xb9: {  	s31 =	sshll.u32 s1, $0xD;
	s1 =	sshrl.u32 s1, $0x2  }
0xba: {  	s3 =	sand.u32 $0x4000, s31;
	s1 =	sadd.s32 s1, s30  }
0xbb: {  	s0 =	sor.u32 s3, s0;
	s1 =	sshll.u32 s1, $0x11  }
0xbc: {  	s0 =	sor.u32 s1, s0  }
0xbd: {  	s0 =	sadd.s32 $0x8F2B, s0  }
0xbe: {  	[sflag:s0] =	ssyncadd.remote.s32 $0x1  }
0xbf: {  	_ =	sfence.sel $0xFFFF  }
0xc0: {  	[dreg:$0x0] =	wrdreg $0xFFFFFFFF;
	(pc) =	sbr.abs _section_cstart, $3  }
0xc1: {  	[dreg:$0x1] =	wrdreg $0xFFFFFFFF  }
0xc2: {  	_ =	task.clear_ibuf [dreg:s7], $0x2FFFF;
	_ =	strace $0x9FFFFFFF  }
0xc3: {  	(tm) =	ssettm $0x7FFFFFFF  }
tec
execute0_lowered:
.L_overlay_start_1:
0x0: {  	(tag) =	ssettag $0x1  }
0x1: {  	s4 =	rddreg [dreg:$0x0]  }
0x2: {  	s16 =	rddreg [dreg:$0x1]  }
0x3: {  	s1 =	rddreg [dreg:$0x2]  }
0x4: {  	s0 =	rddreg [dreg:$0x3]  }
0x5: {  	s2 =	simm.s32 $0x0;
	s3 =	srdreg.scid;
	s19 =	simm.s32 $0x100  }
0x6: {  	s20 =	simm.s32 $0x4100;
	s21 =	simm.s32 $0x80;
	s22 =	simm.s32 $0x1  }
0x7: {  	s23 =	simm.s32 $0x2;
	[smem:$0x7FF] =	sst s2;
	s11 =	sand.u32 $0x1, s3  }
0x8: {  	s24 =	simm.s32 $0x0;
	_ =	strace $0x8000004A;
	s3 =	sshll.u32 s11, $0x12  }
0x9: {  	s5 =	ssub.s32 $0x2, s11;
	s15 =	sshll.u32 s11, $0xE;
	s18 =	sshll.u32 s11, $0x11  }
0xa: {  	s14 =	sadd.s32 s3, s4;
	s3 =	stileid.u32;
	s7 =	sshrl.u32 s5, $0x1  }
0xb: {  	s6 =	sshll.u32 s3, $0xD;
	s8 =	sshll.u32 s3, $0x10;
	s13 =	ssub.s32 s5, s7  }
0xc: {  	s17 =	sshll.u32 s3, $0xA;
	s29 =	sshll.u32 s3, $0xE;
	s12 =	sadd.s32 s6, s4  }
0xd: {  	s4 =	sadd.s32 s8, s1;
	s17 =	sor.u32 s17, s15;
	s13 =	smax.u32 s13, $0x1  }
0xe: {  	s14 =	sadd.s32 s29, s14;
	s5 =	sadd.s32 $0x2000, s4;
	s6 =	sadd.s32 $0x4000, s4  }
0xf: {  	s7 =	sadd.s32 $0x6000, s4;
	s8 =	sadd.s32 $0x8000, s4;
	s9 =	sadd.s32 $0xA000, s4  }
0x10: {  	s10 =	sadd.s32 $0xC000, s4;
	s11 =	sadd.s32 $0xE000, s4;
	s12 =	sadd.s32 s18, s12  }
0x11: {  	s30 =	sor.u32 $0x80, s17;
	s14 =	sadd.s32 $0x1C00, s14;
	s17 =	sshrl.u32 s17, $0x3  }
0x12: {  	s18 =	simm.s32 $0x3;
	s12 =	sadd.s32 $0x81400, s12;
	s31 =	sshrl.u32 s30, $0x3  }
0x13: {  	v0 =	vimm.f32 $0.0e+00;
	s15 =	sadd.s32 s31, s16;
	s16 =	sadd.s32 s17, s16;
	s17 =	simm.s32 $0x8100  }
.LBB2_1:
0x14: {  	s25 =	sand.u32 $0x7E00, s2  }
0x15: {  	s26 =	sand.u32 $0x70, s2;
	s28 =	sshrl.u32 s25, $0x2  }
0x16: {  	s25 =	simm.s32 $0x40;
	s28 =	sor.u32 s26, s28;
	s26 =	simm.s32 $0x0  }
.LBB2_2:
0x17: {  	p0 =	sne.s32 s25, $0x7FC0  }
0x18: {  	[tilespmem:s28+$0x8100] =	vst v0;
	s26 =	sadd.s32 $0x10, s26;
	s28 =	smov.u32 s25;
	s25 =	sadd.s32 $0x40, s25  }
.Ltmp0:
0x19: {  	(pc) =	sbr.rel @p0 .LBB2_2-.Ltmp0, $4  }
0x1a: {  	_ = 	snop  }
0x1b: {  	s28 =	sand.u32 $0x7E00, s28  }
0x1c: {  	s29 =	sand.u32 $0x70, s26;
	s28 =	sshrl.u32 s28, $0x2  }
0x1d: {  	s28 =	sor.u32 s29, s28  }
0x1e: {  	[tilespmem:s28+$0x8100] =	vst v0  }
0x1f: {  	[spmem:s4] =	stream.linear.scatter [tilespmem:s17], [sflag:$0x3], $0x2000, $0x38;
	[tilespmem:$0x1A100] =	vst v63  }
0x20: {  	_ =	swait.ge [sflag:s18], $0x2000  }
0x21: {  	[sflag:s18] =	ssyncset.done $0x0  }
0x22: {  	[sflag:s18] =	ssyncadd.s32 $0xFFFFE000  }
0x23: {  	[spmem:s5] =	stream.linear.scatter [tilespmem:s17], [sflag:$0x3], $0x2000, $0x38;
	[tilespmem:$0x1A100] =	vst v63  }
0x24: {  	_ =	swait.ge [sflag:s18], $0x2000  }
0x25: {  	[sflag:s18] =	ssyncset.done $0x0  }
0x26: {  	[sflag:s18] =	ssyncadd.s32 $0xFFFFE000  }
0x27: {  	[spmem:s6] =	stream.linear.scatter [tilespmem:s17], [sflag:$0x3], $0x2000, $0x38;
	[tilespmem:$0x1A100] =	vst v63  }
0x28: {  	_ =	swait.ge [sflag:s18], $0x2000  }
0x29: {  	[sflag:s18] =	ssyncset.done $0x0  }
0x2a: {  	[sflag:s18] =	ssyncadd.s32 $0xFFFFE000  }
0x2b: {  	[spmem:s7] =	stream.linear.scatter [tilespmem:s17], [sflag:$0x3], $0x2000, $0x38;
	[tilespmem:$0x1A100] =	vst v63  }
0x2c: {  	_ =	swait.ge [sflag:s18], $0x2000  }
0x2d: {  	[sflag:s18] =	ssyncset.done $0x0  }
0x2e: {  	[sflag:s18] =	ssyncadd.s32 $0xFFFFE000  }
0x2f: {  	[spmem:s8] =	stream.linear.scatter [tilespmem:s17], [sflag:$0x3], $0x2000, $0x38;
	[tilespmem:$0x1A100] =	vst v63  }
0x30: {  	_ =	swait.ge [sflag:s18], $0x2000  }
0x31: {  	[sflag:s18] =	ssyncset.done $0x0  }
0x32: {  	[sflag:s18] =	ssyncadd.s32 $0xFFFFE000  }
0x33: {  	[spmem:s9] =	stream.linear.scatter [tilespmem:s17], [sflag:$0x3], $0x2000, $0x38;
	[tilespmem:$0x1A100] =	vst v63  }
0x34: {  	_ =	swait.ge [sflag:s18], $0x2000  }
0x35: {  	[sflag:s18] =	ssyncset.done $0x0  }
0x36: {  	[sflag:s18] =	ssyncadd.s32 $0xFFFFE000  }
0x37: {  	[spmem:s10] =	stream.linear.scatter [tilespmem:s17], [sflag:$0x3], $0x2000, $0x38;
	[tilespmem:$0x1A100] =	vst v63  }
0x38: {  	_ =	swait.ge [sflag:s18], $0x2000  }
0x39: {  	[sflag:s18] =	ssyncset.done $0x0  }
0x3a: {  	[sflag:s18] =	ssyncadd.s32 $0xFFFFE000  }
0x3b: {  	[spmem:s11] =	stream.linear.scatter [tilespmem:s17], [sflag:$0x3], $0x2000, $0x38;
	[tilespmem:$0x1A100] =	vst v63  }
0x3c: {  	_ =	swait.ge [sflag:s18], $0x2000  }
0x3d: {  	[sflag:s18] =	ssyncset.done $0x0  }
0x3e: {  	[sflag:s18] =	ssyncadd.s32 $0xFFFFE000  }
0x3f: {  	s25 =	sadd.s32 $0xFFFFF800, s14;
	[bflag:$0x0] =	sbarrier.arrive $0xFFFF  }
0x40: {  	[tilespmem:s19], [sflag:$0x1] =	stream.linear.gather [hbm4b:s25+s2], $0x4000, $0x38;
	[tilespmem:$0x1A100] =	vst v63  }
0x41: {  	s30 =	sadd.s32 $0x0, s16  }
0x42: {  	[tilespmem:s2], [sflag:$0x1] =	stream.linear.gather [hbm4b:s30+s2], $0x80, $0x38;
	[tilespmem:$0x1A100] =	vst v63  }
0x43: {  	_ = 	snop  }
0x44: {  	[tilespmem:s20], [sflag:$0x2] =	stream.linear.gather [hbm4b:s14+s2], $0x4000, $0x38;
	[tilespmem:$0x1A100] =	vst v63  }
0x45: {  	s31 =	sadd.s32 $0x0, s15  }
0x46: {  	[tilespmem:s21], [sflag:$0x2] =	stream.linear.gather [hbm4b:s31+s2], $0x80, $0x38;
	[tilespmem:$0x1A100] =	vst v63  }
0x47: {  	_ =	swait.ge [sflag:s22], $0x4000  }
0x48: {  	[sflag:s22] =	ssyncset.done $0x0  }
0x49: {  	[sflag:s22] =	ssyncadd.s32 $0xFFFFC000  }
0x4a: {  	_ =	swait.ge [sflag:s22], $0x80  }
0x4b: {  	[sflag:s22] =	ssyncset.done $0x0  }
0x4c: {  	[sflag:s22] =	ssyncadd.s32 $0xFFFFFF80  }
0x4d: {  	[spmem:s1] =	stream.indirect.scatter.add.f32 [tilespmem:s19], [sflag:$0x3], $0x80, s2, s21, $0xb8;
	[tilespmem:$0x1A100] =	vst v63  }
0x4e: {  	_ =	swait.ge [sflag:s18], $0x4000  }
0x4f: {  	[sflag:s18] =	ssyncset.done $0x0  }
0x50: {  	[sflag:s18] =	ssyncadd.s32 $0xFFFFC000  }
0x51: {  	_ =	swait.ge [sflag:s23], $0x4000  }
0x52: {  	[sflag:s23] =	ssyncset.done $0x0  }
0x53: {  	[sflag:s23] =	ssyncadd.s32 $0xFFFFC000  }
0x54: {  	_ =	swait.ge [sflag:s23], $0x80  }
0x55: {  	[sflag:s23] =	ssyncset.done $0x0  }
0x56: {  	[sflag:s23] =	ssyncadd.s32 $0xFFFFFF80  }
0x57: {  	[spmem:s1] =	stream.indirect.scatter.add.f32 [tilespmem:s20], [sflag:$0x3], $0x80, s21, s21, $0xb8;
	[tilespmem:$0x1A100] =	vst v63  }
0x58: {  	s28 =	simm.s32 $0x40;
	_ =	swait.ge [sflag:s18], $0x4000  }
0x59: {  	s26 =	sadd.s32 $0x1000, s14;
	s25 =	simm.s32 $0x20;
	[sflag:s18] =	ssyncset.done $0x0  }
.LBB2_4:
0x5a: {  	p0 =	sne.s32 s28, $0x60;
	s29 =	sadd.s32 $0xFFFFF800, s26;
	[sflag:s18] =	ssyncadd.s32 $0xFFFFC000  }
0x5b: {  	[tilespmem:s19], [sflag:$0x1] =	stream.linear.gather [hbm4b:s29+s2], $0x4000, $0x38;
	[tilespmem:$0x1A100] =	vst v63  }
0x5c: {  	s30 =	smov.u32 s28;
	s28 =	sadd.s32 $0x20, s28;
	s29 =	sadd.s32 s25, s16  }
0x5d: {  	[tilespmem:s2], [sflag:$0x1] =	stream.linear.gather [hbm4b:s29+s2], $0x80, $0x38;
	[tilespmem:$0x1A100] =	vst v63  }
0x5e: {  	_ = 	snop  }
0x5f: {  	[tilespmem:s20], [sflag:$0x2] =	stream.linear.gather [hbm4b:s26+s2], $0x4000, $0x38;
	[tilespmem:$0x1A100] =	vst v63  }
0x60: {  	s29 =	sadd.s32 s25, s15;
	s25 =	smov.u32 s30  }
0x61: {  	[tilespmem:s21], [sflag:$0x2] =	stream.linear.gather [hbm4b:s29+s2], $0x80, $0x38;
	[tilespmem:$0x1A100] =	vst v63  }
0x62: {  	_ =	swait.ge [sflag:s22], $0x4000  }
0x63: {  	[sflag:s22] =	ssyncset.done $0x0  }
0x64: {  	[sflag:s22] =	ssyncadd.s32 $0xFFFFC000  }
0x65: {  	_ =	swait.ge [sflag:s22], $0x80  }
0x66: {  	[sflag:s22] =	ssyncset.done $0x0  }
0x67: {  	[sflag:s22] =	ssyncadd.s32 $0xFFFFFF80  }
0x68: {  	[spmem:s1] =	stream.indirect.scatter.add.f32 [tilespmem:s19], [sflag:$0x3], $0x80, s2, s21, $0xb8;
	[tilespmem:$0x1A100] =	vst v63  }
0x69: {  	_ =	swait.ge [sflag:s18], $0x4000  }
0x6a: {  	[sflag:s18] =	ssyncset.done $0x0  }
0x6b: {  	[sflag:s18] =	ssyncadd.s32 $0xFFFFC000  }
0x6c: {  	_ =	swait.ge [sflag:s23], $0x4000  }
0x6d: {  	[sflag:s23] =	ssyncset.done $0x0  }
0x6e: {  	[sflag:s23] =	ssyncadd.s32 $0xFFFFC000  }
0x6f: {  	_ =	swait.ge [sflag:s23], $0x80  }
.Ltmp1:
0x70: {  	[sflag:s23] =	ssyncset.done $0x0;
	(pc) =	sbr.rel @p0 .LBB2_4-.Ltmp1, $4  }
0x71: {  	[sflag:s23] =	ssyncadd.s32 $0xFFFFFF80  }
0x72: {  	[spmem:s1] =	stream.indirect.scatter.add.f32 [tilespmem:s20], [sflag:$0x3], $0x80, s21, s21, $0xb8;
	[tilespmem:$0x1A100] =	vst v63  }
0x73: {  	_ =	swait.ge [sflag:s18], $0x4000  }
0x74: {  	s26 =	sadd.s32 $0x1000, s26;
	[sflag:s18] =	ssyncset.done $0x0  }
0x75: {  	s28 =	sadd.s32 $0xFFFFF800, s26;
	[sflag:s18] =	ssyncadd.s32 $0xFFFFC000  }
0x76: {  	[tilespmem:s19], [sflag:$0x1] =	stream.linear.gather [hbm4b:s28+s2], $0x4000, $0x38;
	[tilespmem:$0x1A100] =	vst v63  }
0x77: {  	s31 =	sadd.s32 s25, s16  }
0x78: {  	[tilespmem:s2], [sflag:$0x1] =	stream.linear.gather [hbm4b:s31+s2], $0x80, $0x38;
	[tilespmem:$0x1A100] =	vst v63  }
0x79: {  	_ = 	snop  }
0x7a: {  	[tilespmem:s20], [sflag:$0x2] =	stream.linear.gather [hbm4b:s26+s2], $0x4000, $0x38;
	[tilespmem:$0x1A100] =	vst v63  }
0x7b: {  	s29 =	sadd.s32 s25, s15  }
0x7c: {  	[tilespmem:s21], [sflag:$0x2] =	stream.linear.gather [hbm4b:s29+s2], $0x80, $0x38;
	[tilespmem:$0x1A100] =	vst v63  }
0x7d: {  	_ =	swait.ge [sflag:s22], $0x4000  }
0x7e: {  	[sflag:s22] =	ssyncset.done $0x0  }
0x7f: {  	[sflag:s22] =	ssyncadd.s32 $0xFFFFC000  }
0x80: {  	_ =	swait.ge [sflag:s22], $0x80  }
0x81: {  	[sflag:s22] =	ssyncset.done $0x0  }
0x82: {  	[sflag:s22] =	ssyncadd.s32 $0xFFFFFF80  }
0x83: {  	[spmem:s1] =	stream.indirect.scatter.add.f32 [tilespmem:s19], [sflag:$0x3], $0x80, s2, s21, $0xb8;
	[tilespmem:$0x1A100] =	vst v63  }
0x84: {  	_ =	swait.ge [sflag:s18], $0x4000  }
0x85: {  	[sflag:s18] =	ssyncset.done $0x0  }
0x86: {  	[sflag:s18] =	ssyncadd.s32 $0xFFFFC000  }
0x87: {  	_ =	swait.ge [sflag:s23], $0x4000  }
0x88: {  	[sflag:s23] =	ssyncset.done $0x0  }
0x89: {  	[sflag:s23] =	ssyncadd.s32 $0xFFFFC000  }
0x8a: {  	_ =	swait.ge [sflag:s23], $0x80  }
0x8b: {  	[sflag:s23] =	ssyncset.done $0x0  }
0x8c: {  	[sflag:s23] =	ssyncadd.s32 $0xFFFFFF80  }
0x8d: {  	[spmem:s1] =	stream.indirect.scatter.add.f32 [tilespmem:s20], [sflag:$0x3], $0x80, s21, s21, $0xb8;
	[tilespmem:$0x1A100] =	vst v63  }
0x8e: {  	_ =	swait.ge [sflag:s18], $0x4000  }
0x8f: {  	s30 =	sshll.u32 s3, $0x6;
	s24 =	sadd.s32 $0x1, s24;
	[sflag:s18] =	ssyncset.done $0x0  }
0x90: {  	s25 =	sor.u32 $0x1C03, s30;
	p0 =	sne.s32 s24, s13;
	[sflag:s18] =	ssyncadd.s32 $0xFFFFC000  }
.Ltmp2:
0x91: {  	s31 =	sshrl.u32 s4, $0x3;
	[bflag:$0x0] =	sbarrier.arrive $0xFFFF;
	(pc) =	sbr.rel @p0 .LBB2_1-.Ltmp2, $4  }
0x92: {  	[hbm:s12], [sflag:s25] =	dma.local [spmem:s31], $0x2000  }
0x93: {  	_ =	swait.ge [sflag:s18], $0x2000  }
0x94: {  	[sflag:s18] =	ssyncset.done $0x0  }
0x95: {  	[sflag:s18] =	ssyncadd.s32 $0xFFFFE000  }
0x96: {  	_ =	sfence.sel $0x180000  }
0x97: {  	[bflag:$0x0] =	sbarrier.arrive $0xFFFF  }
0x98: {  	p0 =	sne.s32 s3, $0x0;
	_ =	strace $0x9000004A  }
0x99: {  	s0 =	sadd.s32 @!p0 $0x100000, s0;
	[bflag:$0x2] =	sbarrier.arrive $0xFFFF  }
0x9a: {  	[sflag:s0] =	ssyncadd.tile.s32 @!p0 $0x1;
	_ =	shalt  }
.Lfunc_end2:
_tile_overlayer_lowered:
.L_overlay_start_2:
0x9b: {  	(tag) =	ssettag $0x2  }
0x9c: {  	s0 =	rddreg [dreg:$0x0];
	s2 =	stileid.u32  }
0x9d: {  	s1 =	rddreg [dreg:$0x1];
	p0 =	sne.s32 s2, $0x0  }
0x9e: {  	s3 =	rddreg [dreg:$0x2];
	[bflag:$0x3] =	sbarrier.arrive $0xFFFF;
	s2 =	simm.s32 @!p0 $0x1C03  }
0x9f: {  	[timem:s3], [sflag:s2] =	dma.local @!p0 [hbm:s0], s1  }
0xa0: {  	s0 =	simm.s32 @!p0 $0x3  }
0xa1: {  	_ =	swait.ge @!p0 [sflag:s0], s1  }
0xa2: {  	s1 =	ssub.s32 @!p0 $0x0, s1;
	[sflag:s0] =	ssyncset.done @!p0 $0x0  }
0xa3: {  	[sflag:s0] =	ssyncadd.s32 @!p0 s1  }
0xa4: {  	[bflag:$0x3] =	sbarrier.arrive $0xFFFF  }
0xa5: {  	_ =	shalt  }

// kernel: kernel.7.cloned.1.call-start
scs
__scs_entry_jumppad:
0x0: {  	(pc) =	sbr.rel $0x88, $3  }
0x1: {  	(tag) =	ssettag $0x0;
	lr =	simm.s32 $0x1  }
0x2: {  	[smem:$0x3F9A] =	sst lr;
	_ =	strace $0xD0000000  }
0x3: {  	_ = 	snop  }
0x4: {  	_ = 	snop  }
0x5: {  	_ = 	snop  }
0x6: {  	_ = 	snop  }
0x7: {  	_ = 	snop  }
__scs_overlays_trampoline_lowered:
0x8: {  	[smem:$0x3FA9] =	sst s0  }
0x9: {  	[smem:$0x3FAA] =	sst s1  }
0xa: {  	[smem:$0x3FAB] =	sst s2  }
0xb: {  	[smem:$0x3FAC] =	sst s3  }
0xc: {  	[smem:$0x3FAD] =	sst s4  }
0xd: {  	[smem:$0x3FAE] =	sst s5  }
0xe: {  	[smem:$0x3FAF] =	sst s6  }
0xf: {  	[smem:$0x3FB0] =	sst s7  }
0x10: {  	[smem:$0x3FB1] =	sst s8  }
0x11: {  	[smem:$0x3FB2] =	sst s9;
	s0 =	simm.s32 @!p0 $0x0  }
0x12: {  	s1 =	sld [smem:$0x3F98];
	s0 =	simm.s32 @p0 $0x1  }
0x13: {  	[smem:$0x3FB3] =	sst s0;
	s0 =	simm.s32 @!p1 $0x0  }
0x14: {  	s2 =	sld [smem:$0x3F97];
	s0 =	simm.s32 @p1 $0x1  }
0x15: {  	[smem:$0x3FB4] =	sst s0;
	s0 =	simm.s32 @!p2 $0x0  }
0x16: {  	s3 =	sld [smem:$0x3FDB];
	s0 =	simm.s32 @p2 $0x1  }
0x17: {  	s4 =	simm.s32 $0x1BF5;
	[smem:$0x3FB6] =	sst s0  }
0x18: {  	s0 =	sld [smem:$0x3F99];
	_ =	swait.ge [sflag:s4], $0x0  }
0x19: {  	s7 =	sld [smem:$0x3F9A]  }
0x1a: {  	s8 =	sadd.s32 $0xFFFFE003, lr  }
0x1b: {  	s9 =	sadd.s32 $0xFFFFFEF7, lr;
	s5 =	simm.s32 $0xFFFFFFFF;
	p2 =	slt.u32 s8, $0xFFFFF086  }
0x1c: {  	p1 =	slt.u32 s9, $0xF7A;
	s5 =	simm.s32 @!p2 $0x0  }
0x1d: {  	s5 =	simm.s32 @p1 $0x1;
	p0 =	seq.s32 s7, s2  }
0x1e: {  	s7 =	smul.u32 @!p0 $0xF7A, s2;
	p2 =	seq.s32 @!p0 s5, $0x0  }
0x1f: {  	s9 =	smul.u32 $0xF7A, s1;
	s8 =	simm.s32 @!p0 $0x1BF5;
	p2 =	por !p2, p0  }
0x20: {  	[sflag:s8] =	ssyncset.s32 @!p0 $0xFFFFF086;
	s6 =	sadd.s32 @!p0 s3, s7;
	s7 =	simm.s32 @!p0 $0x108  }
0x21: {  	s3 =	sadd.s32 s3, s9;
	s6 =	sadd.s32 @!p0 $0x88, s6;
	s7 =	simm.s32 @p2 $0x1082  }
0x22: {  	[simem:s7], [sflag:s8] =	dma.local @!p0 [hbm:s6], $0xF7A  }
0x23: {  	s9 =	sor.u32 $0xD0000000, s2;
	s6 =	simm.s32 $0x108;
	_ =	swait.ge @!p0 [sflag:s8], $0x0  }
0x24: {  	s3 =	sadd.s32 $0x88, s3;
	s6 =	simm.s32 @!p1 $0x1082;
	[sflag:s4] =	ssyncset.s32 $0xFFFFF086  }
0x25: {  	[simem:s6], [sflag:s4] =	dma.local [hbm:s3], $0xF7A  }
0x26: {  	[smem:$0x3F9A] =	sst s1;
	(tag) =	ssettag s2;
	_ =	strace s9  }
0x27: {  	s1 =	sld [smem:$0x3FAA]  }
0x28: {  	s2 =	sld [smem:$0x3FAB]  }
0x29: {  	s4 =	sld [smem:$0x3FAD]  }
0x2a: {  	p0 =	seq.s32 s5, $0x0;
	s5 =	sld [smem:$0x3FAE]  }
0x2b: {  	s6 =	sld [smem:$0x3FAF]  }
0x2c: {  	s7 =	sld [smem:$0x3FB0]  }
0x2d: {  	s3 =	simm.s32 $0x108;
	s8 =	sld [smem:$0x3FB1]  }
0x2e: {  	s3 =	simm.s32 @!p0 $0x1082;
	s9 =	sld [smem:$0x3FB2]  }
0x2f: {  	lr =	sadd.s32 s0, s3;
	s0 =	sld [smem:$0x3FA9]  }
0x30: {  	s3 =	sld [smem:$0x3FAC]  }
0x31: {  	[smem:$0x3FB5] =	sst s10  }
0x32: {  	s10 =	sld [smem:$0x3FB3];
	_ =	sdelay $0x3  }
0x33: {  	p0 =	seq.s32 s10, $0x1;
	s10 =	sld [smem:$0x3FB5];
	_ =	sdelay $0x3  }
0x34: {  	[smem:$0x3FB5] =	sst s10  }
0x35: {  	s10 =	sld [smem:$0x3FB4];
	_ =	sdelay $0x3  }
0x36: {  	p1 =	seq.s32 s10, $0x1;
	s10 =	sld [smem:$0x3FB5];
	_ =	sdelay $0x3  }
0x37: {  	[smem:$0x3FB5] =	sst s10  }
0x38: {  	s10 =	sld [smem:$0x3FB6]  }
0x39: {  	_ = 	snop;
	(pc) =	sbr.ind lr, $3  }
0x3a: {  	_ = 	snop  }
0x3b: {  	_ = 	snop  }
0x3c: {  	p2 =	seq.s32 s10, $0x1;
	s10 =	sld [smem:$0x3FB5]  }
0x3d: {  	_ =	shalt  }
0x3e: {  	_ =	shalt  }
0x3f: {  	_ =	shalt  }
0x40: {  	_ =	shalt  }
0x41: {  	_ =	shalt  }
0x42: {  	_ =	shalt  }
0x43: {  	_ =	shalt  }
0x44: {  	_ =	shalt  }
0x45: {  	_ =	shalt  }
0x46: {  	_ =	shalt  }
0x47: {  	_ =	shalt  }
0x48: {  	_ =	shalt  }
0x49: {  	_ =	shalt  }
0x4a: {  	_ =	shalt  }
0x4b: {  	_ =	shalt  }
0x4c: {  	_ =	shalt  }
0x4d: {  	_ =	shalt  }
0x4e: {  	_ =	shalt  }
0x4f: {  	_ =	shalt  }
0x50: {  	_ =	shalt  }
0x51: {  	_ =	shalt  }
0x52: {  	_ =	shalt  }
0x53: {  	_ =	shalt  }
0x54: {  	_ =	shalt  }
0x55: {  	_ =	shalt  }
0x56: {  	_ =	shalt  }
0x57: {  	_ =	shalt  }
0x58: {  	_ =	shalt  }
0x59: {  	_ =	shalt  }
0x5a: {  	_ =	shalt  }
0x5b: {  	_ =	shalt  }
0x5c: {  	_ =	shalt  }
0x5d: {  	_ =	shalt  }
0x5e: {  	_ =	shalt  }
0x5f: {  	_ =	shalt  }
0x60: {  	_ =	shalt  }
0x61: {  	_ =	shalt  }
0x62: {  	_ =	shalt  }
0x63: {  	_ =	shalt  }
0x64: {  	_ =	shalt  }
0x65: {  	_ =	shalt  }
0x66: {  	_ =	shalt  }
0x67: {  	_ =	shalt  }
0x68: {  	_ =	shalt  }
0x69: {  	_ =	shalt  }
0x6a: {  	_ =	shalt  }
0x6b: {  	_ =	shalt  }
0x6c: {  	_ =	shalt  }
0x6d: {  	_ =	shalt  }
0x6e: {  	_ =	shalt  }
0x6f: {  	_ =	shalt  }
0x70: {  	_ =	shalt  }
0x71: {  	_ =	shalt  }
0x72: {  	_ =	shalt  }
0x73: {  	_ =	shalt  }
0x74: {  	_ =	shalt  }
0x75: {  	_ =	shalt  }
0x76: {  	_ =	shalt  }
0x77: {  	_ =	shalt  }
0x78: {  	_ =	shalt  }
0x79: {  	_ =	shalt  }
0x7a: {  	_ =	shalt  }
0x7b: {  	_ =	shalt  }
0x7c: {  	_ =	shalt  }
0x7d: {  	_ =	shalt  }
0x7e: {  	_ =	shalt  }
0x7f: {  	_ =	shalt  }
0x80: {  	_ =	shalt  }
0x81: {  	_ =	shalt  }
0x82: {  	_ =	shalt  }
0x83: {  	_ =	shalt  }
0x84: {  	_ =	shalt  }
0x85: {  	_ =	shalt  }
0x86: {  	_ =	shalt  }
0x87: {  	_ =	shalt  }
.Lfunc_end0:
.L_simem_size_0:
called_computation_lowered:
.L_overlay_start_0:
0x88: {  	s2 =	sld [smem:$0x3FD9]  }
0x89: {  	s3 =	sld [smem:$0x3FFE];
	_ =	sdelay $0x1  }
0x8a: {  	s1 =	srdreg.scid  }
0x8b: {  	s0 =	sand.u32 $0x1, s1  }
0x8c: {  	s18 =	sshll.u32 s0, $0xA;
	s2 =	sadd.s32 s3, s2  }
0x8d: {  	s2 =	sadd.s32 s2, s18  }
0x8e: {  	[smem:$0x3FC1] =	sst s2  }
0x8f: {  	_ = 	snop  }
0x90: {  	s2 =	sld [smem:$0x3FC7]  }
0x91: {  	s19 =	sld [smem:$0x3FC6]  }
0x92: {  	s4 =	sld [smem:$0x3FD0];
	(tm) =	ssettm $0x1  }
0x93: {  	s5 =	sld [smem:$0x3FFB];
	_ =	sdelay $0x3  }
0x94: {  	_ =	strace s5  }
0x95: {  	s5 =	sld [smem:$0x3FFC];
	_ =	sdelay $0x3  }
0x96: {  	_ =	strace s5  }
0x97: {  	s5 =	sld [smem:$0x3FFD];
	_ =	sdelay $0x3  }
0x98: {  	_ =	strace s5  }
0x99: {  	_ =	strace $0x8FFFFFFF  }
0x9a: {  	s20 =	sld [smem:$0x3FDB];
	_ =	sdelay $0x1  }
0x9b: {  	s6 =	simm.s32 $_scs_section_size  }
0x9c: {  	s7 =	simm.s32 $_size__tile_overlayer_lowered;
	s8 =	simm.s32 $_tile_overlayer_lowered  }
0x9d: {  	s23 =	simm.s32 $0x1BFF;
	s22 =	sshll.u32 s8, $0x1;
	s5 =	sadd.s32 s6, s20  }
0x9e: {  	s9 =	simm.s32 $0x0;
	s21 =	sshll.u32 s7, $0x1;
	s7 =	sadd.s32 s22, s5  }
0x9f: {  	[timem:s9], [sflag:s23] =	dma.local [hbm:s7], s21  }
0xa0: {  	_ =	swait.ge [sflag:s23], s21  }
0xa1: {  	s6 =	ssub.s32 $0x0, s21;
	[sflag:s23] =	ssyncset.done $0x0  }
0xa2: {  	[sflag:s23] =	ssyncadd.s32 s6;
	_ =	sdelay $0x1  }
0xa3: {  	s24 =	simm.s32 $0x1B8B  }
0xa4: {  	_ =	swait.ge [sflag:s24], $0x1  }
0xa5: {  	[sflag:s24] =	ssyncset.done $0x0  }
0xa6: {  	s25 =	simm.s32 $0x1B8E;
	[sflag:s24] =	ssyncadd.s32 $0xFFFFFFFF  }
0xa7: {  	s26 =	simm.s32 $execute0_lowered;
	[smem:$0x3FD2] =	sst s25  }
0xa8: {  	s6 =	sshll.u32 s26, $0x1;
	_ =	strace $0x80000046;
	[dreg:$0x1] =	wrdreg $0xFFFFFFFF  }
0xa9: {  	s28 =	simm.s32 $_size_execute0_lowered;
	s5 =	sadd.s32 s5, s6;
	[dreg:$0x0] =	wrdreg $0x0  }
0xaa: {  	s6 =	sshll.u32 s28, $0x1;
	[dreg:$0x2] =	wrdreg s5  }
0xab: {  	[dreg:$0x3] =	wrdreg s6  }
0xac: {  	[dreg:$0x4] =	wrdreg $0xC0  }
0xad: {  	_ =	task [dreg:s9], $0x5FFFF  }
0xae: {  	[dreg:$0x1] =	wrdreg $0xFFFFFFFF  }
0xaf: {  	[dreg:$0x0] =	wrdreg $0x60  }
0xb0: {  	[dreg:$0x2] =	wrdreg s19  }
0xb1: {  	[dreg:$0x3] =	wrdreg s2  }
0xb2: {  	[dreg:$0x4] =	wrdreg s4  }
0xb3: {  	[dreg:$0x5] =	wrdreg $0x34000  }
0xb4: {  	[dreg:$0x6] =	wrdreg $0x9  }
0xb5: {  	_ =	task.clear_ibuf [dreg:s9], $0x7FFFF;
	_ =	strace $0x90000046  }
0xb6: {  	s29 =	simm.s32 $0x9;
	_ =	strace $0x80000048  }
0xb7: {  	_ =	swait.ge [sflag:s29], $0x1  }
0xb8: {  	[sflag:s29] =	ssyncadd.s32 $0xFFFFFFFF  }
0xb9: {  	_ =	strace $0x90000048  }
0xba: {  	_ =	sfence  }
0xbb: {  	s30 =	sld [smem:$0x0];
	_ =	sdelay $0x2  }
0xbc: {  	s31 =	sshll.u32 s1, $0xD;
	s1 =	sshrl.u32 s1, $0x2  }
0xbd: {  	s3 =	sand.u32 $0x4000, s31;
	s1 =	sadd.s32 s1, s30  }
0xbe: {  	s0 =	sor.u32 s3, s0;
	s1 =	sshll.u32 s1, $0x11  }
0xbf: {  	s0 =	sor.u32 s1, s0  }
0xc0: {  	s0 =	sadd.s32 $0x8F2B, s0  }
0xc1: {  	[sflag:s0] =	ssyncadd.remote.s32 $0x1  }
0xc2: {  	_ =	sfence.sel $0xFFFF  }
0xc3: {  	[dreg:$0x0] =	wrdreg $0xFFFFFFFF;
	(pc) =	sbr.abs _section_cstart, $3  }
0xc4: {  	[dreg:$0x1] =	wrdreg $0xFFFFFFFF  }
0xc5: {  	_ =	task.clear_ibuf [dreg:s9], $0x2FFFF;
	_ =	strace $0x9FFFFFFF  }
0xc6: {  	(tm) =	ssettm $0x7FFFFFFF  }
0xc7: {  	_ =	shalt  }
tec
execute0_lowered:
.L_overlay_start_1:
0x0: {  	(tag) =	ssettag $0x1  }
0x1: {  	s7 =	rddreg [dreg:$0x0]  }
0x2: {  	s8 =	rddreg [dreg:$0x1]  }
0x3: {  	s9 =	rddreg [dreg:$0x2]  }
0x4: {  	s0 =	srdreg.scid;
	s1 =	rddreg [dreg:$0x3]  }
0x5: {  	s2 =	simm.s32 $0x0;
	s3 =	stileid.u32;
	s13 =	simm.s32 $0x800  }
0x6: {  	s14 =	simm.s32 $0x1000;
	s15 =	simm.s32 $0x1800;
	s16 =	simm.s32 $0x400  }
0x7: {  	s17 =	simm.s32 $0x2000;
	s4 =	sand.u32 $0x1, s0;
	s0 =	rddreg [dreg:$0x4]  }
0x8: {  	s18 =	simm.s32 $0x1;
	s19 =	simm.s32 $0x0;
	[smem:$0x7FF] =	sst s2  }
0x9: {  	s30 =	sshll.u32 s3, $0xC;
	s11 =	sshll.u32 s3, $0x7;
	s12 =	sshll.u32 s3, $0x8  }
0xa: {  	s5 =	ssub.s32 $0x2, s4;
	_ =	strace $0x80000047;
	s31 =	sshll.u32 s4, $0xB  }
0xb: {  	s4 =	sadd.s32 s30, s1;
	s6 =	sshrl.u32 s5, $0x1;
	s11 =	sor.u32 s11, s31  }
0xc: {  	s10 =	ssub.s32 s5, s6;
	s5 =	sadd.s32 s7, s12;
	s6 =	sadd.s32 s8, s12  }
0xd: {  	s7 =	sadd.s32 s7, s11;
	s8 =	sadd.s32 s8, s11;
	s9 =	sadd.s32 s9, s11  }
0xe: {  	v0 =	vimm.f32 $0.0e+00;
	v1 =	vimm.f32 $1.000000000e+00;
	s11 =	simm.s32 $0x2400;
	s12 =	simm.s32 $0x2;
	s10 =	smax.u32 s10, $0x1  }
.LBB2_1:
0xf: {  	s20 =	simm.s32 $0x40;
	s21 =	simm.s32 $0x0  }
.LBB2_2:
0x10: {  	p0 =	sne.s32 s20, $0x3FC0;
	[tilespmem:s21+$0x2400] =	vst v0;
	s21 =	smov.u32 s20;
	s20 =	sadd.s32 $0x40, s20  }
.Ltmp0:
0x11: {  	(pc) =	sbr.rel @p0 .LBB2_2-.Ltmp0, $2  }
0x12: {  	_ =	sdelay $0x2  }
0x13: {  	s21 =	sshra.s32 s21, $0x2  }
0x14: {  	[tilespmem:s21+$0x2400] =	vst v0  }
0x15: {  	[spmem:s4] =	stream.linear.scatter [tilespmem:s11], [sflag:$0x2], $0x1000, $0x38;
	[tilespmem:$0x4400] =	vst v63  }
0x16: {  	_ =	swait.ge [sflag:s12], $0x1000  }
0x17: {  	[sflag:s12] =	ssyncset.done $0x0  }
0x18: {  	[sflag:s12] =	ssyncadd.s32 $0xFFFFF000  }
0x19: {  	s20 =	simm.s32 $0x0;
	[bflag:$0x0] =	sbarrier.arrive $0xFFFF  }
0x1a: {  	[tilespmem:s20], [sflag:$0x2] =	stream.linear.gather [hbm4b:s5+s20], $0x800, $0x38;
	[tilespmem:$0x4400] =	vst v63  }
0x1b: {  	_ =	swait.ge [sflag:s12], $0x800  }
0x1c: {  	[sflag:s12] =	ssyncset.done $0x0  }
0x1d: {  	[sflag:s12] =	ssyncadd.s32 $0xFFFFF800  }
0x1e: {  	[tilespmem:s13], [sflag:$0x2] =	stream.linear.gather [hbm4b:s6+s20], $0x800, $0x38;
	[tilespmem:$0x4400] =	vst v63  }
0x1f: {  	_ =	swait.ge [sflag:s12], $0x800  }
0x20: {  	[sflag:s12] =	ssyncset.done $0x0  }
0x21: {  	s20 =	simm.s32 $0x0;
	[sflag:s12] =	ssyncadd.s32 $0xFFFFF800  }
0x22: {  	v2 =	vld [tilespmem:s20+$0x0]  }
0x23: {  	s21 =	simm.s32 $0x40;
	[tilespmem:s20+$0x1800] =	vst v1;
	v3 =	vld [tilespmem:s20+$0x800]  }
.LBB2_4:
0x24: {  	p0 =	sne.s32 s21, $0x1FC0  }
.Ltmp1:
0x25: {  	_ = 	snop;
	(pc) =	sbr.rel @p0 .LBB2_4-.Ltmp1, $4  }
0x26: {  	_ = 	snop  }
0x27: {  	s22 =	sshra.s32 s21, $0x2;
	s21 =	sadd.s32 $0x40, s21;
	v4 =	vshll.u32 v2, $0x3  }
0x28: {  	v2 =	vld [tilespmem:s22+$0x0];
	[tilespmem:s22+$0x1800] =	vst v1;
	v4 =	vadd.s32 v3, v4  }
0x29: {  	v3 =	vld [tilespmem:s22+$0x800];
	[tilespmem:s20+$0x1000] =	vst v4;
	s20 =	smov.u32 s22  }
0x2a: {  	_ =	sdelay $0x2  }
0x2b: {  	v2 =	vshll.u32 v2, $0x3  }
0x2c: {  	v2 =	vadd.s32 v3, v2  }
0x2d: {  	[tilespmem:s20+$0x1000] =	vst v2  }
0x2e: {  	[spmem:s1] =	stream.indirect.scatter.add.f32 [tilespmem:s15], [sflag:$0x2], $0x1, s14, s13, $0xb8;
	[tilespmem:$0x4400] =	vst v63  }
0x2f: {  	_ =	swait.ge [sflag:s12], $0x800  }
0x30: {  	[sflag:s12] =	ssyncset.done $0x0  }
0x31: {  	[sflag:s12] =	ssyncadd.s32 $0xFFFFF800  }
0x32: {  	s31 =	simm.s32 $0x0;
	[bflag:$0x0] =	sbarrier.arrive $0xFFFF  }
0x33: {  	[tilespmem:s31], [sflag:$0x2] =	stream.linear.gather [hbm4b:s7+s31], $0x400, $0x38;
	[tilespmem:$0x4400] =	vst v63  }
0x34: {  	_ =	swait.ge [sflag:s12], $0x400  }
0x35: {  	[sflag:s12] =	ssyncset.done $0x0  }
0x36: {  	[sflag:s12] =	ssyncadd.s32 $0xFFFFFC00  }
0x37: {  	[tilespmem:s13], [sflag:$0x2] =	stream.linear.gather [hbm4b:s8+s31], $0x400, $0x38;
	[tilespmem:$0x4400] =	vst v63  }
0x38: {  	_ =	swait.ge [sflag:s12], $0x400  }
0x39: {  	[sflag:s12] =	ssyncset.done $0x0  }
0x3a: {  	s20 =	simm.s32 $0x0;
	[sflag:s12] =	ssyncadd.s32 $0xFFFFFC00  }
0x3b: {  	v2 =	vld [tilespmem:s20+$0x0]  }
0x3c: {  	s21 =	simm.s32 $0x40;
	v3 =	vld [tilespmem:s20+$0x800]  }
.LBB2_6:
0x3d: {  	p0 =	sne.s32 s21, $0xFC0  }
.Ltmp2:
0x3e: {  	_ = 	snop;
	(pc) =	sbr.rel @p0 .LBB2_6-.Ltmp2, $4  }
0x3f: {  	_ = 	snop  }
0x40: {  	s22 =	sshra.s32 s21, $0x2;
	s21 =	sadd.s32 $0x40, s21;
	v4 =	vshll.u32 v2, $0x3  }
0x41: {  	v2 =	vld [tilespmem:s22+$0x0];
	v4 =	vadd.s32 v3, v4  }
0x42: {  	v3 =	vld [tilespmem:s22+$0x800];
	[tilespmem:s20+$0x1000] =	vst v4;
	s20 =	smov.u32 s22  }
0x43: {  	_ =	sdelay $0x2  }
0x44: {  	v2 =	vshll.u32 v2, $0x3  }
0x45: {  	v2 =	vadd.s32 v3, v2  }
0x46: {  	[tilespmem:s20+$0x1000] =	vst v2  }
0x47: {  	[tilespmem:s17], [sflag:$0x1] =	stream.indirect.gather [spmem:s1], $0x1, s14, s16, $0xb8;
	[tilespmem:$0x4400] =	vst v63  }
0x48: {  	_ =	swait.ge [sflag:s18], $0x400  }
0x49: {  	[sflag:s18] =	ssyncset.done $0x0  }
0x4a: {  	s21 =	simm.s32 $0x40;
	s20 =	simm.s32 $0x0;
	[sflag:s18] =	ssyncadd.s32 $0xFFFFFC00  }
.LBB2_8:
0x4b: {  	p0 =	sne.s32 s21, $0xFC0;
	v2 =	vld [tilespmem:s20+$0x2000];
	_ =	sdelay $0x4  }
0x4c: {  	v2 =	vmax.f32 v2, $1.000000000e+00  }
0x4d: {  	(erf) = vrcp.f32 v2;
	_ =	sdelay $0x5  }
.Ltmp3:
0x4e: {  	(pc) =	sbr.rel @p0 .LBB2_8-.Ltmp3, $3  }
0x4f: {  	_ =	sdelay $0x1  }
0x50: {  	v2 =	vpop (erf)  }
0x51: {  	[tilespmem:s20+$0x2000] =	vst v2;
	s20 =	sshra.s32 s21, $0x2;
	s21 =	sadd.s32 $0x40, s21  }
0x52: {  	v2 =	vld [tilespmem:s20+$0x2000];
	_ =	sdelay $0x4  }
0x53: {  	v2 =	vmax.f32 v2, $1.000000000e+00  }
0x54: {  	(erf) = vrcp.f32 v2;
	_ =	sdelay $0x7  }
0x55: {  	s19 =	sadd.s32 $0x1, s19  }
0x56: {  	p0 =	sne.s32 s19, s10;
	v2 =	vpop (erf)  }
.Ltmp4:
0x57: {  	[tilespmem:s20+$0x2000] =	vst v2;
	(pc) =	sbr.rel @p0 .LBB2_1-.Ltmp4, $4  }
0x58: {  	[hbm4b:s9+s2] =	stream.linear.scatter [tilespmem:s17], [sflag:$0x2], $0x400, $0x38;
	[tilespmem:$0x4400] =	vst v63  }
0x59: {  	_ =	swait.ge [sflag:s12], $0x400  }
0x5a: {  	[sflag:s12] =	ssyncset.done $0x0  }
0x5b: {  	[sflag:s12] =	ssyncadd.s32 $0xFFFFFC00  }
0x5c: {  	_ =	sfence.sel $0x180000  }
0x5d: {  	[bflag:$0x0] =	sbarrier.arrive $0xFFFF  }
0x5e: {  	p0 =	sne.s32 s3, $0x0;
	_ =	strace $0x90000047  }
0x5f: {  	s0 =	sadd.s32 @!p0 $0x100000, s0;
	[bflag:$0x2] =	sbarrier.arrive $0xFFFF  }
0x60: {  	[sflag:s0] =	ssyncadd.tile.s32 @!p0 $0x1;
	_ =	shalt  }
.Lfunc_end2:
_tile_overlayer_lowered:
.L_overlay_start_2:
0x61: {  	(tag) =	ssettag $0x2  }
0x62: {  	s0 =	rddreg [dreg:$0x0];
	s2 =	stileid.u32  }
0x63: {  	s1 =	rddreg [dreg:$0x1];
	p0 =	sne.s32 s2, $0x0  }
0x64: {  	s3 =	rddreg [dreg:$0x2];
	[bflag:$0x3] =	sbarrier.arrive $0xFFFF;
	s2 =	simm.s32 @!p0 $0x1C02  }
0x65: {  	[timem:s3], [sflag:s2] =	dma.local @!p0 [hbm:s0], s1  }
0x66: {  	s0 =	simm.s32 @!p0 $0x2  }
0x67: {  	_ =	swait.ge @!p0 [sflag:s0], s1  }
0x68: {  	s1 =	ssub.s32 @!p0 $0x0, s1;
	[sflag:s0] =	ssyncset.done @!p0 $0x0  }
0x69: {  	[sflag:s0] =	ssyncadd.s32 @!p0 s1  }
0x6a: {  	[bflag:$0x3] =	sbarrier.arrive $0xFFFF  }
0x6b: {  	_ =	shalt  }

</sc_bundles>
